<compile_context>
chip_gen: v7x
topology: tpu7x:2x2x1
jax: 0.10.2.dev20260603
libtpu: 0.0.44.dev20260713+nightly
codegen_flags: <defaults>
</compile_context>

<pallas_src>
import functools

import numpy as np

import jax
import jax.numpy as jnp
from jax import lax
from jax.experimental import pallas as pl
from jax.experimental.pallas import tpu as pltpu
from jax.experimental.pallas import tpu_sc as plsc

_N = 10000
_NP = 10112
_K = 256
_NC = 2
_NS = 16
_TILES = _NC * _NS
_RPT = _NP // _NS
_EPS = 1e-5


def _sc_mesh():
    return plsc.VectorSubcoreMesh(
        core_axis_name="c", subcore_axis_name="s",
        num_cores=_NC, num_subcores=_NS)


_SC_PARAMS = pltpu.CompilerParams(use_tc_tiling_on_sc=False)


@functools.cache
def _deg_kernel(nch):
    @functools.partial(
        pl.kernel,
        out_type=jax.ShapeDtypeStruct((_NC * _NP, 8), jnp.float32),
        mesh=_sc_mesh(),
        compiler_params=_SC_PARAMS,
        scratch_types=[
            pltpu.VMEM((nch, _K), jnp.int32),
            pltpu.VMEM((_K, 8), jnp.float32),
            pltpu.VMEM_SHARED((_NP, 8), jnp.float32),
        ],
    )
    def body(dst_hbm, ones_hbm, zeros_hbm, out_hbm, dst_v, ones_v, acc_sh):
        cid = lax.axis_index("c")
        sid = lax.axis_index("s")
        t = cid * _NS + sid
        row0 = sid * _RPT
        pltpu.sync_copy(zeros_hbm.at[pl.ds(row0, _RPT)], acc_sh.at[pl.ds(row0, _RPT)])
        pltpu.sync_copy(dst_hbm.at[t], dst_v)
        pltpu.sync_copy(ones_hbm, ones_v)
        plsc.subcore_barrier()

        def step(j, carry):
            pltpu.sync_copy(ones_v, acc_sh.at[dst_v.at[j]], add=True)
            return carry

        lax.fori_loop(0, nch, step, 0)
        plsc.subcore_barrier()
        pltpu.sync_copy(acc_sh.at[pl.ds(row0, _RPT)],
                        out_hbm.at[pl.ds(cid * _NP + row0, _RPT)])

    return body


@functools.cache
def _spmm_kernel(nch, dh, stage_g):
    @functools.partial(
        pl.kernel,
        out_type=jax.ShapeDtypeStruct((_NC * _NP, dh), jnp.float32),
        mesh=_sc_mesh(),
        compiler_params=_SC_PARAMS,
        scratch_types=[
            pltpu.VMEM((nch, _K), jnp.int32),
            pltpu.VMEM((nch, _K), jnp.int32),
            pltpu.VMEM((_K, dh), jnp.float32),
            pltpu.VMEM_SHARED((_NP, dh), jnp.float32),
        ] + ([pltpu.VMEM_SHARED((_NP, dh), jnp.float32)] if stage_g else []),
    )
    def body(g_hbm, src_hbm, dst_hbm, zeros_hbm, out_hbm,
             src_v, dst_v, rows_v, acc_sh, *maybe_g_sh):
        cid = lax.axis_index("c")
        sid = lax.axis_index("s")
        t = cid * _NS + sid
        row0 = sid * _RPT
        pltpu.sync_copy(zeros_hbm.at[pl.ds(row0, _RPT)], acc_sh.at[pl.ds(row0, _RPT)])
        g_ref = maybe_g_sh[0] if stage_g else g_hbm
        if stage_g:
            pltpu.sync_copy(g_hbm.at[pl.ds(row0, _RPT)], g_ref.at[pl.ds(row0, _RPT)])
        pltpu.sync_copy(src_hbm.at[t], src_v)
        pltpu.sync_copy(dst_hbm.at[t], dst_v)
        plsc.subcore_barrier()

        def step(j, carry):
            pltpu.sync_copy(g_ref.at[src_v.at[j]], rows_v)
            pltpu.sync_copy(rows_v, acc_sh.at[dst_v.at[j]], add=True)
            return carry

        lax.fori_loop(0, nch, step, 0)
        plsc.subcore_barrier()
        pltpu.sync_copy(acc_sh.at[pl.ds(row0, _RPT)],
                        out_hbm.at[pl.ds(cid * _NP + row0, _RPT)])

    return body


def _tc1a_body(x, w1, h1_o):
    h1_o[...] = jnp.dot(x[...], w1[...], preferred_element_type=jnp.float32)


def _tc1b_body(degp, h1, dis_o, g1_o):
    deg = degp[:_NP, 0:1] + degp[_NP:, 0:1] + 1.0
    dis = lax.rsqrt(deg)
    dis_o[...] = dis
    g1_o[...] = h1[...] * dis


def _tc2_body(accp, g1, dis, w2, b1, x1_o, g2_o):
    s1 = accp[:_NP] + accp[_NP:] + g1[...]
    x1 = dis[...] * s1 + b1[...]
    rows = lax.broadcasted_iota(jnp.int32, (_NP, 1), 0)
    x1 = jnp.where(rows < _N, x1, 0.0)
    h2 = jnp.dot(x1, w2[...], preferred_element_type=jnp.float32)
    x1_o[...] = x1
    g2_o[...] = h2 * dis[...]


def _dense_bn(h, w, b, g, be, ones_row):
    hl = jnp.maximum(jnp.dot(h, w, preferred_element_type=jnp.float32) + b, 0.0)
    sums = jnp.dot(ones_row, hl, preferred_element_type=jnp.float32)
    sqs = jnp.dot(ones_row, hl * hl, preferred_element_type=jnp.float32)
    mu = sums * (1.0 / _N)
    var = sqs * (1.0 / _N) - mu * mu
    return g * (hl - mu) * lax.rsqrt(var + _EPS) + be


def _tc3_body(accp, g2, x1, dis, b2,
              wl, bl, gl, bel, wm1, bm1, gm1, bem1, wm2, bm2, gm2, bem2, out_o):
    x2 = dis[...] * (accp[:_NP] + accp[_NP:] + g2[...]) + b2[...]
    h = jnp.concatenate([x1[:_N], x2[:_N]], axis=1)
    ones_row = jnp.ones((1, _N), jnp.float32)
    h = _dense_bn(h, wl[...], bl[...], gl[...], bel[...], ones_row)
    h = _dense_bn(h, wm1[...], bm1[...], gm1[...], bem1[...], ones_row)
    h = _dense_bn(h, wm2[...], bm2[...], gm2[...], bem2[...], ones_row)
    out_o[...] = h


def kernel(x, edge_index, batch, W1, b1, W2, b2, Wl, bl, gl, bel,
           Wm1, bm1, gm1, bem1, Wm2, bm2, gm2, bem2):
    del batch
    e = edge_index.shape[1]
    nch = -(-e // (_TILES * _K))
    pad = _TILES * _K * nch - e
    f32 = jnp.float32

    spread = jnp.asarray(
        np.broadcast_to(_N + (np.arange(pad, dtype=np.int32) % (_NP - _N)),
                        (2, pad)))
    both = jnp.concatenate([edge_index, spread], axis=1)
    slabs = both.reshape(2, _TILES, nch, _K)
    srcp = slabs[0]
    dstp = slabs[1]
    xp = jnp.pad(x, ((0, _NP - _N), (0, 0)))

    degp = _deg_kernel(nch)(
        dstp, jnp.ones((_K, 8), f32), jnp.zeros((_NP, 8), f32))

    h1 = pl.pallas_call(
        _tc1a_body, out_shape=jax.ShapeDtypeStruct((_NP, 32), f32))(xp, W1)
    dis, g1 = pl.pallas_call(
        _tc1b_body,
        out_shape=[jax.ShapeDtypeStruct((_NP, 1), f32),
                   jax.ShapeDtypeStruct((_NP, 32), f32)],
    )(degp, h1)

    accp1 = _spmm_kernel(nch, 32, True)(g1, srcp, dstp, jnp.zeros((_NP, 32), f32))

    x1, g2 = pl.pallas_call(
        _tc2_body,
        out_shape=[jax.ShapeDtypeStruct((_NP, 32), f32),
                   jax.ShapeDtypeStruct((_NP, 64), f32)],
    )(accp1, g1, dis, W2, b1.reshape(1, -1))

    accp2 = _spmm_kernel(nch, 64, True)(g2, srcp, dstp, jnp.zeros((_NP, 64), f32))

    out = pl.pallas_call(
        _tc3_body,
        out_shape=jax.ShapeDtypeStruct((_N, 10), f32),
    )(accp2, g2, x1, dis, b2.reshape(1, -1),
      Wl, bl.reshape(1, -1), gl.reshape(1, -1), bel.reshape(1, -1),
      Wm1, bm1.reshape(1, -1), gm1.reshape(1, -1), bem1.reshape(1, -1),
      Wm2, bm2.reshape(1, -1), gm2.reshape(1, -1), bem2.reshape(1, -1))
    return out

# --- scband reference (transcript-rebuilt; emitter-appended) ---
"""Pipeline reference for scband-gcnet-70059506532443 (READ-ONLY COPY).

The authoritative reference and input builder live on the scoring server;
editing this copy changes nothing except your own understanding.
"""

import jax, jax.numpy as jnp
import numpy as np

N = 10000
E = 320000
D = 128
C = 10
EPS = 1e-5


def _init_linear(key, fan_in, fan_out):
    k1, k2 = jax.random.split(key)
    bound = 1.0 / np.sqrt(fan_in)
    W = jax.random.uniform(k1, (fan_in, fan_out), minval=-bound, maxval=bound, dtype=jnp.float32)
    b = jax.random.uniform(k2, (fan_out,), minval=-bound, maxval=bound, dtype=jnp.float32)
    return W, b


def setup_inputs(seed: int = 0) -> dict:
    key = jax.random.key(seed)
    ks = jax.random.split(key, 10)
    x = jax.random.normal(ks[0], (N, D), dtype=jnp.float32)
    edge_index = jax.random.randint(ks[1], (2, E), 0, N, dtype=jnp.int32)
    batch = jnp.zeros((N,), dtype=jnp.int32)
    W1, b1 = _init_linear(ks[2], D, 32)
    W2, b2 = _init_linear(ks[3], 32, 64)
    Wl, bl = _init_linear(ks[4], 96, 96)
    gl = jnp.ones((96,), jnp.float32)
    bel = jnp.zeros((96,), jnp.float32)
    Wm1, bm1 = _init_linear(ks[5], 96, 96)
    gm1 = jnp.ones((96,), jnp.float32)
    bem1 = jnp.zeros((96,), jnp.float32)
    Wm2, bm2 = _init_linear(ks[6], 96, C)
    gm2 = jnp.ones((C,), jnp.float32)
    bem2 = jnp.zeros((C,), jnp.float32)
    return {"x": x, "edge_index": edge_index, "batch": batch,
            "W1": W1, "b1": b1, "W2": W2, "b2": b2,
            "Wl": Wl, "bl": bl, "gl": gl, "bel": bel,
            "Wm1": Wm1, "bm1": bm1, "gm1": gm1, "bem1": bem1,
            "Wm2": Wm2, "bm2": bm2, "gm2": gm2, "bem2": bem2}


def _gcn_conv(x, src, dst, W, b):
    n = x.shape[0]
    loop = jnp.arange(n, dtype=src.dtype)
    s = jnp.concatenate([src, loop])
    d = jnp.concatenate([dst, loop])
    deg = jax.ops.segment_sum(jnp.ones(s.shape, dtype=jnp.float32), d, num_segments=n)
    dis = jnp.where(deg > 0, 1.0 / jnp.sqrt(deg), 0.0)
    norm = dis[s] * dis[d]
    h = x @ W
    msgs = h[s] * norm[:, None]
    out = jax.ops.segment_sum(msgs, d, num_segments=n)
    return out + b


def _bn(h, gamma, beta):
    mean = jnp.mean(h, axis=0)
    var = jnp.var(h, axis=0)
    return gamma * (h - mean) * jax.lax.rsqrt(var + EPS) + beta


def reference(x, edge_index, batch, W1, b1, W2, b2, Wl, bl, gl, bel, Wm1, bm1, gm1, bem1, Wm2, bm2, gm2, bem2):
    src, dst = edge_index[0], edge_index[1]
    x1 = _gcn_conv(x, src, dst, W1, b1)
    x2 = _gcn_conv(x1, src, dst, W2, b2)
    h = jnp.concatenate([x1, x2], axis=1)
    h = _bn(jax.nn.relu(h @ Wl + bl), gl, bel)
    # task == 'node': no global pooling, G == 0: no u concat
    h = _bn(jax.nn.relu(h @ Wm1 + bm1), gm1, bem1)
    h = _bn(jax.nn.relu(h @ Wm2 + bm2), gm2, bem2)
    return h

if __name__ == "__main__":
    import jax
    _d = setup_inputs()
    print(jax.jit(kernel)(*tuple(_d.values())))

</pallas_src>

<mosaic_0001>
#map = affine_map<(d0, d1) -> (0, 0)>
#map1 = affine_map<(d0, d1) -> (0, 0, 0)>
module attributes {stable_mosaic.version = 14 : i64} {
  func.func @body(%arg0: i32, %arg1: i32, %arg2: memref<10112x32xf32, #tpu.memory_space<hbm>>, %arg3: memref<32x40x256xi32, #tpu.memory_space<hbm>>, %arg4: memref<32x40x256xi32, #tpu.memory_space<hbm>>, %arg5: memref<10112x32xf32, #tpu.memory_space<hbm>>, %arg6: memref<20224x32xf32, #tpu.memory_space<hbm>>, %arg7: memref<40x256xi32, #tpu.memory_space<vmem>>, %arg8: memref<40x256xi32, #tpu.memory_space<vmem>>, %arg9: memref<256x32xf32, #tpu.memory_space<vmem>>, %arg10: memref<10112x32xf32, #tpu.memory_space<vmem_shared>>, %arg11: memref<10112x32xf32, #tpu.memory_space<vmem_shared>>) attributes {dimension_semantics = [#tpu.dimension_semantics<core_parallel>, #tpu.dimension_semantics<subcore_parallel>], iteration_bounds = array<i64: 2, 16>, scalar_prefetch = 0 : i64, scratch_operands = 5 : i64, tpu.core_type = #tpu.core_type<sc_vector_subcore>, window_params = [{transform_indices = #map}, {transform_indices = #map1}, {transform_indices = #map1}, {transform_indices = #map}, {transform_indices = #map}]} {
    %mul3A = arith.constant 16 : i32
    %mul3A_0 = arith.muli %arg0, %mul3A : i32
    %add3A = arith.addi %mul3A_0, %arg1 : i32
    %mul3A_1 = arith.constant 632 : i32
    %mul3A_2 = arith.muli %arg1, %mul3A_1 : i32
    "tpu.region"() ({
      %run_scoped3A = tpu.sem_alloc : memref<!tpu.dma_semaphore, #tpu.memory_space<semaphore_mem>>
      %dma_start3A = arith.constant 0 : i32
      %dma_start3A_12 = tpu.memref_slice %arg10[%mul3A_2, %dma_start3A] : memref<10112x32xf32, #tpu.memory_space<vmem_shared>> -> memref<632x32xf32, #tpu.memory_space<vmem_shared>>
      %dma_start3A_13 = arith.constant 0 : i32
      %dma_start3A_14 = tpu.memref_slice %arg5[%mul3A_2, %dma_start3A_13] : memref<10112x32xf32, #tpu.memory_space<hbm>> -> memref<632x32xf32, #tpu.memory_space<hbm>>
      tpu.enqueue_dma source(%dma_start3A_14 : memref<632x32xf32, #tpu.memory_space<hbm>>) target(%dma_start3A_12 : memref<632x32xf32, #tpu.memory_space<vmem_shared>>) target_semaphore(%run_scoped3A : memref<!tpu.dma_semaphore, #tpu.memory_space<semaphore_mem>>)
      %dma_wait3A = arith.constant 0 : i32
      %dma_wait3A_15 = tpu.memref_slice %arg10[%mul3A_2, %dma_wait3A] : memref<10112x32xf32, #tpu.memory_space<vmem_shared>> -> memref<632x32xf32, #tpu.memory_space<vmem_shared>>
      %dma_wait3A_16 = arith.constant 0 : i32
      %dma_wait3A_17 = tpu.memref_slice %arg5[%mul3A_2, %dma_wait3A_16] : memref<10112x32xf32, #tpu.memory_space<hbm>> -> memref<632x32xf32, #tpu.memory_space<hbm>>
      tpu.wait_dma2 semaphore(%run_scoped3A : memref<!tpu.dma_semaphore, #tpu.memory_space<semaphore_mem>>) src(%dma_wait3A_17 : memref<632x32xf32, #tpu.memory_space<hbm>>) dst(%dma_wait3A_15 : memref<632x32xf32, #tpu.memory_space<vmem_shared>>)
      tpu.yield
    }) : () -> ()
    "tpu.region"() ({
      %run_scoped3A = tpu.sem_alloc : memref<!tpu.dma_semaphore, #tpu.memory_space<semaphore_mem>>
      %dma_start3A = arith.constant 0 : i32
      %dma_start3A_12 = tpu.memref_slice %arg11[%mul3A_2, %dma_start3A] : memref<10112x32xf32, #tpu.memory_space<vmem_shared>> -> memref<632x32xf32, #tpu.memory_space<vmem_shared>>
      %dma_start3A_13 = arith.constant 0 : i32
      %dma_start3A_14 = tpu.memref_slice %arg2[%mul3A_2, %dma_start3A_13] : memref<10112x32xf32, #tpu.memory_space<hbm>> -> memref<632x32xf32, #tpu.memory_space<hbm>>
      tpu.enqueue_dma source(%dma_start3A_14 : memref<632x32xf32, #tpu.memory_space<hbm>>) target(%dma_start3A_12 : memref<632x32xf32, #tpu.memory_space<vmem_shared>>) target_semaphore(%run_scoped3A : memref<!tpu.dma_semaphore, #tpu.memory_space<semaphore_mem>>)
      %dma_wait3A = arith.constant 0 : i32
      %dma_wait3A_15 = tpu.memref_slice %arg11[%mul3A_2, %dma_wait3A] : memref<10112x32xf32, #tpu.memory_space<vmem_shared>> -> memref<632x32xf32, #tpu.memory_space<vmem_shared>>
      %dma_wait3A_16 = arith.constant 0 : i32
      %dma_wait3A_17 = tpu.memref_slice %arg2[%mul3A_2, %dma_wait3A_16] : memref<10112x32xf32, #tpu.memory_space<hbm>> -> memref<632x32xf32, #tpu.memory_space<hbm>>
      tpu.wait_dma2 semaphore(%run_scoped3A : memref<!tpu.dma_semaphore, #tpu.memory_space<semaphore_mem>>) src(%dma_wait3A_17 : memref<632x32xf32, #tpu.memory_space<hbm>>) dst(%dma_wait3A_15 : memref<632x32xf32, #tpu.memory_space<vmem_shared>>)
      tpu.yield
    }) : () -> ()
    "tpu.region"() ({
      %run_scoped3A = tpu.sem_alloc : memref<!tpu.dma_semaphore, #tpu.memory_space<semaphore_mem>>
      %dma_start3A = arith.constant 0 : i32
      %dma_start3A_12 = arith.constant 0 : i32
      %dma_start3A_13 = tpu.memref_slice %arg3[%add3A, %dma_start3A, %dma_start3A_12] : memref<32x40x256xi32, #tpu.memory_space<hbm>> -> memref<1x40x256xi32, #tpu.memory_space<hbm>>
      %dma_start3A_14 = tpu.memref_squeeze %dma_start3A_13 : memref<1x40x256xi32, #tpu.memory_space<hbm>> -> memref<40x256xi32, #tpu.memory_space<hbm>>
      %dma_start3A_15 = arith.constant 0 : i32
      %dma_start3A_16 = arith.constant 0 : i32
      %dma_start3A_17 = tpu.memref_slice %arg3[%add3A, %dma_start3A_15, %dma_start3A_16] : memref<32x40x256xi32, #tpu.memory_space<hbm>> -> memref<1x40x256xi32, #tpu.memory_space<hbm>>
      %dma_start3A_18 = tpu.memref_squeeze %dma_start3A_17 : memref<1x40x256xi32, #tpu.memory_space<hbm>> -> memref<40x256xi32, #tpu.memory_space<hbm>>
      tpu.enqueue_dma source(%dma_start3A_18 : memref<40x256xi32, #tpu.memory_space<hbm>>) target(%arg7 : memref<40x256xi32, #tpu.memory_space<vmem>>) target_semaphore(%run_scoped3A : memref<!tpu.dma_semaphore, #tpu.memory_space<semaphore_mem>>)
      %dma_wait3A = arith.constant 0 : i32
      %dma_wait3A_19 = arith.constant 0 : i32
      %dma_wait3A_20 = tpu.memref_slice %arg3[%add3A, %dma_wait3A, %dma_wait3A_19] : memref<32x40x256xi32, #tpu.memory_space<hbm>> -> memref<1x40x256xi32, #tpu.memory_space<hbm>>
      %dma_wait3A_21 = tpu.memref_squeeze %dma_wait3A_20 : memref<1x40x256xi32, #tpu.memory_space<hbm>> -> memref<40x256xi32, #tpu.memory_space<hbm>>
      %dma_wait3A_22 = arith.constant 0 : i32
      %dma_wait3A_23 = arith.constant 0 : i32
      %dma_wait3A_24 = tpu.memref_slice %arg3[%add3A, %dma_wait3A_22, %dma_wait3A_23] : memref<32x40x256xi32, #tpu.memory_space<hbm>> -> memref<1x40x256xi32, #tpu.memory_space<hbm>>
      %dma_wait3A_25 = tpu.memref_squeeze %dma_wait3A_24 : memref<1x40x256xi32, #tpu.memory_space<hbm>> -> memref<40x256xi32, #tpu.memory_space<hbm>>
      tpu.wait_dma2 semaphore(%run_scoped3A : memref<!tpu.dma_semaphore, #tpu.memory_space<semaphore_mem>>) src(%dma_wait3A_25 : memref<40x256xi32, #tpu.memory_space<hbm>>) dst(%arg7 : memref<40x256xi32, #tpu.memory_space<vmem>>)
      tpu.yield
    }) : () -> ()
    "tpu.region"() ({
      %run_scoped3A = tpu.sem_alloc : memref<!tpu.dma_semaphore, #tpu.memory_space<semaphore_mem>>
      %dma_start3A = arith.constant 0 : i32
      %dma_start3A_12 = arith.constant 0 : i32
      %dma_start3A_13 = tpu.memref_slice %arg4[%add3A, %dma_start3A, %dma_start3A_12] : memref<32x40x256xi32, #tpu.memory_space<hbm>> -> memref<1x40x256xi32, #tpu.memory_space<hbm>>
      %dma_start3A_14 = tpu.memref_squeeze %dma_start3A_13 : memref<1x40x256xi32, #tpu.memory_space<hbm>> -> memref<40x256xi32, #tpu.memory_space<hbm>>
      %dma_start3A_15 = arith.constant 0 : i32
      %dma_start3A_16 = arith.constant 0 : i32
      %dma_start3A_17 = tpu.memref_slice %arg4[%add3A, %dma_start3A_15, %dma_start3A_16] : memref<32x40x256xi32, #tpu.memory_space<hbm>> -> memref<1x40x256xi32, #tpu.memory_space<hbm>>
      %dma_start3A_18 = tpu.memref_squeeze %dma_start3A_17 : memref<1x40x256xi32, #tpu.memory_space<hbm>> -> memref<40x256xi32, #tpu.memory_space<hbm>>
      tpu.enqueue_dma source(%dma_start3A_18 : memref<40x256xi32, #tpu.memory_space<hbm>>) target(%arg8 : memref<40x256xi32, #tpu.memory_space<vmem>>) target_semaphore(%run_scoped3A : memref<!tpu.dma_semaphore, #tpu.memory_space<semaphore_mem>>)
      %dma_wait3A = arith.constant 0 : i32
      %dma_wait3A_19 = arith.constant 0 : i32
      %dma_wait3A_20 = tpu.memref_slice %arg4[%add3A, %dma_wait3A, %dma_wait3A_19] : memref<32x40x256xi32, #tpu.memory_space<hbm>> -> memref<1x40x256xi32, #tpu.memory_space<hbm>>
      %dma_wait3A_21 = tpu.memref_squeeze %dma_wait3A_20 : memref<1x40x256xi32, #tpu.memory_space<hbm>> -> memref<40x256xi32, #tpu.memory_space<hbm>>
      %dma_wait3A_22 = arith.constant 0 : i32
      %dma_wait3A_23 = arith.constant 0 : i32
      %dma_wait3A_24 = tpu.memref_slice %arg4[%add3A, %dma_wait3A_22, %dma_wait3A_23] : memref<32x40x256xi32, #tpu.memory_space<hbm>> -> memref<1x40x256xi32, #tpu.memory_space<hbm>>
      %dma_wait3A_25 = tpu.memref_squeeze %dma_wait3A_24 : memref<1x40x256xi32, #tpu.memory_space<hbm>> -> memref<40x256xi32, #tpu.memory_space<hbm>>
      tpu.wait_dma2 semaphore(%run_scoped3A : memref<!tpu.dma_semaphore, #tpu.memory_space<semaphore_mem>>) src(%dma_wait3A_25 : memref<40x256xi32, #tpu.memory_space<hbm>>) dst(%arg8 : memref<40x256xi32, #tpu.memory_space<vmem>>)
      tpu.yield
    }) : () -> ()
    %barrier3A = arith.constant 0 : index
    tpu.barrier barrier_id(%barrier3A)
    %scan3A = arith.constant 0 : i32
    %scan3A_3 = arith.constant 0 : i32
    %scan3A_4 = arith.constant 40 : i32
    %scan3A_5 = arith.addi %scan3A_3, %scan3A_4 : i32
    %scan3A_6 = arith.constant 1 : i32
    scf.for %scan3A_12 = %scan3A_3 to %scan3A_5 step %scan3A_6  : i32 {
      "tpu.region"() ({
        %run_scoped3A = tpu.sem_alloc : memref<!tpu.dma_semaphore, #tpu.memory_space<semaphore_mem>>
        %dma_start3A = arith.constant 0 : i32
        %dma_start3A_13 = tpu.memref_slice %arg7[%scan3A_12, %dma_start3A] : memref<40x256xi32, #tpu.memory_space<vmem>> -> memref<1x256xi32, #tpu.memory_space<vmem>>
        %dma_start3A_14 = tpu.memref_squeeze %dma_start3A_13 : memref<1x256xi32, #tpu.memory_space<vmem>> -> memref<256xi32, #tpu.memory_space<vmem>>
        %dma_start3A_15 = arith.constant 0 : i32
        %dma_start3A_16 = arith.constant 0 : i32
        %dma_start3A_17 = tpu.memref_slice %arg11[%dma_start3A_15, %dma_start3A_16] : memref<10112x32xf32, #tpu.memory_space<vmem_shared>> -> memref<10112x32xf32, #tpu.memory_space<vmem_shared>>
        tpu.enqueue_indirect_dma source(%dma_start3A_17 : memref<10112x32xf32, #tpu.memory_space<vmem_shared>>) target(%arg9 : memref<256x32xf32, #tpu.memory_space<vmem>>) offsets(%dma_start3A_14 : memref<256xi32, #tpu.memory_space<vmem>>) semaphore(%run_scoped3A : memref<!tpu.dma_semaphore, #tpu.memory_space<semaphore_mem>>)
        %dma_wait3A = arith.constant 0 : i32
        %dma_wait3A_18 = tpu.memref_slice %arg7[%scan3A_12, %dma_wait3A] : memref<40x256xi32, #tpu.memory_space<vmem>> -> memref<1x256xi32, #tpu.memory_space<vmem>>
        %dma_wait3A_19 = tpu.memref_squeeze %dma_wait3A_18 : memref<1x256xi32, #tpu.memory_space<vmem>> -> memref<256xi32, #tpu.memory_space<vmem>>
        %dma_wait3A_20 = arith.constant 0 : i32
        %dma_wait3A_21 = arith.constant 0 : i32
        %dma_wait3A_22 = tpu.memref_slice %arg11[%dma_wait3A_20, %dma_wait3A_21] : memref<10112x32xf32, #tpu.memory_space<vmem_shared>> -> memref<10112x32xf32, #tpu.memory_space<vmem_shared>>
        tpu.wait_indirect_dma semaphore(%run_scoped3A : memref<!tpu.dma_semaphore, #tpu.memory_space<semaphore_mem>>) src(%dma_wait3A_22 : memref<10112x32xf32, #tpu.memory_space<vmem_shared>>) dst(%arg9 : memref<256x32xf32, #tpu.memory_space<vmem>>)
        tpu.yield
      }) : () -> ()
      "tpu.region"() ({
        %run_scoped3A = tpu.sem_alloc : memref<!tpu.dma_semaphore, #tpu.memory_space<semaphore_mem>>
        %dma_start3A = arith.constant 0 : i32
        %dma_start3A_13 = tpu.memref_slice %arg8[%scan3A_12, %dma_start3A] : memref<40x256xi32, #tpu.memory_space<vmem>> -> memref<1x256xi32, #tpu.memory_space<vmem>>
        %dma_start3A_14 = tpu.memref_squeeze %dma_start3A_13 : memref<1x256xi32, #tpu.memory_space<vmem>> -> memref<256xi32, #tpu.memory_space<vmem>>
        %dma_start3A_15 = arith.constant 0 : i32
        %dma_start3A_16 = arith.constant 0 : i32
        %dma_start3A_17 = tpu.memref_slice %arg10[%dma_start3A_15, %dma_start3A_16] : memref<10112x32xf32, #tpu.memory_space<vmem_shared>> -> memref<10112x32xf32, #tpu.memory_space<vmem_shared>>
        tpu.enqueue_indirect_dma source(%arg9 : memref<256x32xf32, #tpu.memory_space<vmem>>) target(%dma_start3A_17 : memref<10112x32xf32, #tpu.memory_space<vmem_shared>>) offsets(%dma_start3A_14 : memref<256xi32, #tpu.memory_space<vmem>>) semaphore(%run_scoped3A : memref<!tpu.dma_semaphore, #tpu.memory_space<semaphore_mem>>) {add = true}
        %dma_wait3A = arith.constant 0 : i32
        %dma_wait3A_18 = tpu.memref_slice %arg8[%scan3A_12, %dma_wait3A] : memref<40x256xi32, #tpu.memory_space<vmem>> -> memref<1x256xi32, #tpu.memory_space<vmem>>
        %dma_wait3A_19 = tpu.memref_squeeze %dma_wait3A_18 : memref<1x256xi32, #tpu.memory_space<vmem>> -> memref<256xi32, #tpu.memory_space<vmem>>
        %dma_wait3A_20 = arith.constant 0 : i32
        %dma_wait3A_21 = arith.constant 0 : i32
        %dma_wait3A_22 = tpu.memref_slice %arg10[%dma_wait3A_20, %dma_wait3A_21] : memref<10112x32xf32, #tpu.memory_space<vmem_shared>> -> memref<10112x32xf32, #tpu.memory_space<vmem_shared>>
        tpu.wait_indirect_dma semaphore(%run_scoped3A : memref<!tpu.dma_semaphore, #tpu.memory_space<semaphore_mem>>) src(%arg9 : memref<256x32xf32, #tpu.memory_space<vmem>>) dst(%dma_wait3A_22 : memref<10112x32xf32, #tpu.memory_space<vmem_shared>>)
        tpu.yield
      }) : () -> ()
    }
    %scan3A_7 = arith.constant 40 : i32
    %barrier3A_8 = arith.constant 0 : index
    tpu.barrier barrier_id(%barrier3A_8)
    %mul3A_9 = arith.constant 10112 : i32
    %mul3A_10 = arith.muli %arg0, %mul3A_9 : i32
    %add3A_11 = arith.addi %mul3A_10, %mul3A_2 : i32
    "tpu.region"() ({
      %run_scoped3A = tpu.sem_alloc : memref<!tpu.dma_semaphore, #tpu.memory_space<semaphore_mem>>
      %dma_start3A = arith.constant 0 : i32
      %dma_start3A_12 = tpu.memref_slice %arg6[%add3A_11, %dma_start3A] : memref<20224x32xf32, #tpu.memory_space<hbm>> -> memref<632x32xf32, #tpu.memory_space<hbm>>
      %dma_start3A_13 = arith.constant 0 : i32
      %dma_start3A_14 = tpu.memref_slice %arg10[%mul3A_2, %dma_start3A_13] : memref<10112x32xf32, #tpu.memory_space<vmem_shared>> -> memref<632x32xf32, #tpu.memory_space<vmem_shared>>
      tpu.enqueue_dma source(%dma_start3A_14 : memref<632x32xf32, #tpu.memory_space<vmem_shared>>) target(%dma_start3A_12 : memref<632x32xf32, #tpu.memory_space<hbm>>) target_semaphore(%run_scoped3A : memref<!tpu.dma_semaphore, #tpu.memory_space<semaphore_mem>>)
      %dma_wait3A = arith.constant 0 : i32
      %dma_wait3A_15 = tpu.memref_slice %arg6[%add3A_11, %dma_wait3A] : memref<20224x32xf32, #tpu.memory_space<hbm>> -> memref<632x32xf32, #tpu.memory_space<hbm>>
      %dma_wait3A_16 = arith.constant 0 : i32
      %dma_wait3A_17 = tpu.memref_slice %arg10[%mul3A_2, %dma_wait3A_16] : memref<10112x32xf32, #tpu.memory_space<vmem_shared>> -> memref<632x32xf32, #tpu.memory_space<vmem_shared>>
      tpu.wait_dma2 semaphore(%run_scoped3A : memref<!tpu.dma_semaphore, #tpu.memory_space<semaphore_mem>>) src(%dma_wait3A_17 : memref<632x32xf32, #tpu.memory_space<vmem_shared>>) dst(%dma_wait3A_15 : memref<632x32xf32, #tpu.memory_space<hbm>>)
      tpu.yield
    }) : () -> ()
    return
  }
}

#map = affine_map<(d0, d1) -> (0, 0, 0)>
#map1 = affine_map<(d0, d1) -> (0, 0)>
module attributes {stable_mosaic.version = 14 : i64} {
  func.func @body(%arg0: i32, %arg1: i32, %arg2: memref<32x40x256xi32, #tpu.memory_space<hbm>>, %arg3: memref<256x8xf32, #tpu.memory_space<hbm>>, %arg4: memref<10112x8xf32, #tpu.memory_space<hbm>>, %arg5: memref<20224x8xf32, #tpu.memory_space<hbm>>, %arg6: memref<40x256xi32, #tpu.memory_space<vmem>>, %arg7: memref<256x8xf32, #tpu.memory_space<vmem>>, %arg8: memref<10112x8xf32, #tpu.memory_space<vmem_shared>>) attributes {dimension_semantics = [#tpu.dimension_semantics<core_parallel>, #tpu.dimension_semantics<subcore_parallel>], iteration_bounds = array<i64: 2, 16>, scalar_prefetch = 0 : i64, scratch_operands = 3 : i64, tpu.core_type = #tpu.core_type<sc_vector_subcore>, window_params = [{transform_indices = #map}, {transform_indices = #map1}, {transform_indices = #map1}, {transform_indices = #map1}]} {
    %mul3A = arith.constant 16 : i32
    %mul3A_0 = arith.muli %arg0, %mul3A : i32
    %add3A = arith.addi %mul3A_0, %arg1 : i32
    %mul3A_1 = arith.constant 632 : i32
    %mul3A_2 = arith.muli %arg1, %mul3A_1 : i32
    "tpu.region"() ({
      %run_scoped3A = tpu.sem_alloc : memref<!tpu.dma_semaphore, #tpu.memory_space<semaphore_mem>>
      %dma_start3A = arith.constant 0 : i32
      %dma_start3A_12 = tpu.memref_slice %arg8[%mul3A_2, %dma_start3A] : memref<10112x8xf32, #tpu.memory_space<vmem_shared>> -> memref<632x8xf32, #tpu.memory_space<vmem_shared>>
      %dma_start3A_13 = arith.constant 0 : i32
      %dma_start3A_14 = tpu.memref_slice %arg4[%mul3A_2, %dma_start3A_13] : memref<10112x8xf32, #tpu.memory_space<hbm>> -> memref<632x8xf32, #tpu.memory_space<hbm>>
      tpu.enqueue_dma source(%dma_start3A_14 : memref<632x8xf32, #tpu.memory_space<hbm>>) target(%dma_start3A_12 : memref<632x8xf32, #tpu.memory_space<vmem_shared>>) target_semaphore(%run_scoped3A : memref<!tpu.dma_semaphore, #tpu.memory_space<semaphore_mem>>)
      %dma_wait3A = arith.constant 0 : i32
      %dma_wait3A_15 = tpu.memref_slice %arg8[%mul3A_2, %dma_wait3A] : memref<10112x8xf32, #tpu.memory_space<vmem_shared>> -> memref<632x8xf32, #tpu.memory_space<vmem_shared>>
      %dma_wait3A_16 = arith.constant 0 : i32
      %dma_wait3A_17 = tpu.memref_slice %arg4[%mul3A_2, %dma_wait3A_16] : memref<10112x8xf32, #tpu.memory_space<hbm>> -> memref<632x8xf32, #tpu.memory_space<hbm>>
      tpu.wait_dma2 semaphore(%run_scoped3A : memref<!tpu.dma_semaphore, #tpu.memory_space<semaphore_mem>>) src(%dma_wait3A_17 : memref<632x8xf32, #tpu.memory_space<hbm>>) dst(%dma_wait3A_15 : memref<632x8xf32, #tpu.memory_space<vmem_shared>>)
      tpu.yield
    }) : () -> ()
    "tpu.region"() ({
      %run_scoped3A = tpu.sem_alloc : memref<!tpu.dma_semaphore, #tpu.memory_space<semaphore_mem>>
      %dma_start3A = arith.constant 0 : i32
      %dma_start3A_12 = arith.constant 0 : i32
      %dma_start3A_13 = tpu.memref_slice %arg2[%add3A, %dma_start3A, %dma_start3A_12] : memref<32x40x256xi32, #tpu.memory_space<hbm>> -> memref<1x40x256xi32, #tpu.memory_space<hbm>>
      %dma_start3A_14 = tpu.memref_squeeze %dma_start3A_13 : memref<1x40x256xi32, #tpu.memory_space<hbm>> -> memref<40x256xi32, #tpu.memory_space<hbm>>
      %dma_start3A_15 = arith.constant 0 : i32
      %dma_start3A_16 = arith.constant 0 : i32
      %dma_start3A_17 = tpu.memref_slice %arg2[%add3A, %dma_start3A_15, %dma_start3A_16] : memref<32x40x256xi32, #tpu.memory_space<hbm>> -> memref<1x40x256xi32, #tpu.memory_space<hbm>>
      %dma_start3A_18 = tpu.memref_squeeze %dma_start3A_17 : memref<1x40x256xi32, #tpu.memory_space<hbm>> -> memref<40x256xi32, #tpu.memory_space<hbm>>
      tpu.enqueue_dma source(%dma_start3A_18 : memref<40x256xi32, #tpu.memory_space<hbm>>) target(%arg6 : memref<40x256xi32, #tpu.memory_space<vmem>>) target_semaphore(%run_scoped3A : memref<!tpu.dma_semaphore, #tpu.memory_space<semaphore_mem>>)
      %dma_wait3A = arith.constant 0 : i32
      %dma_wait3A_19 = arith.constant 0 : i32
      %dma_wait3A_20 = tpu.memref_slice %arg2[%add3A, %dma_wait3A, %dma_wait3A_19] : memref<32x40x256xi32, #tpu.memory_space<hbm>> -> memref<1x40x256xi32, #tpu.memory_space<hbm>>
      %dma_wait3A_21 = tpu.memref_squeeze %dma_wait3A_20 : memref<1x40x256xi32, #tpu.memory_space<hbm>> -> memref<40x256xi32, #tpu.memory_space<hbm>>
      %dma_wait3A_22 = arith.constant 0 : i32
      %dma_wait3A_23 = arith.constant 0 : i32
      %dma_wait3A_24 = tpu.memref_slice %arg2[%add3A, %dma_wait3A_22, %dma_wait3A_23] : memref<32x40x256xi32, #tpu.memory_space<hbm>> -> memref<1x40x256xi32, #tpu.memory_space<hbm>>
      %dma_wait3A_25 = tpu.memref_squeeze %dma_wait3A_24 : memref<1x40x256xi32, #tpu.memory_space<hbm>> -> memref<40x256xi32, #tpu.memory_space<hbm>>
      tpu.wait_dma2 semaphore(%run_scoped3A : memref<!tpu.dma_semaphore, #tpu.memory_space<semaphore_mem>>) src(%dma_wait3A_25 : memref<40x256xi32, #tpu.memory_space<hbm>>) dst(%arg6 : memref<40x256xi32, #tpu.memory_space<vmem>>)
      tpu.yield
    }) : () -> ()
    "tpu.region"() ({
      %run_scoped3A = tpu.sem_alloc : memref<!tpu.dma_semaphore, #tpu.memory_space<semaphore_mem>>
      tpu.enqueue_dma source(%arg3 : memref<256x8xf32, #tpu.memory_space<hbm>>) target(%arg7 : memref<256x8xf32, #tpu.memory_space<vmem>>) target_semaphore(%run_scoped3A : memref<!tpu.dma_semaphore, #tpu.memory_space<semaphore_mem>>)
      tpu.wait_dma2 semaphore(%run_scoped3A : memref<!tpu.dma_semaphore, #tpu.memory_space<semaphore_mem>>) src(%arg3 : memref<256x8xf32, #tpu.memory_space<hbm>>) dst(%arg7 : memref<256x8xf32, #tpu.memory_space<vmem>>)
      tpu.yield
    }) : () -> ()
    %barrier3A = arith.constant 0 : index
    tpu.barrier barrier_id(%barrier3A)
    %scan3A = arith.constant 0 : i32
    %scan3A_3 = arith.constant 0 : i32
    %scan3A_4 = arith.constant 40 : i32
    %scan3A_5 = arith.addi %scan3A_3, %scan3A_4 : i32
    %scan3A_6 = arith.constant 1 : i32
    scf.for %scan3A_12 = %scan3A_3 to %scan3A_5 step %scan3A_6  : i32 {
      "tpu.region"() ({
        %run_scoped3A = tpu.sem_alloc : memref<!tpu.dma_semaphore, #tpu.memory_space<semaphore_mem>>
        %dma_start3A = arith.constant 0 : i32
        %dma_start3A_13 = tpu.memref_slice %arg6[%scan3A_12, %dma_start3A] : memref<40x256xi32, #tpu.memory_space<vmem>> -> memref<1x256xi32, #tpu.memory_space<vmem>>
        %dma_start3A_14 = tpu.memref_squeeze %dma_start3A_13 : memref<1x256xi32, #tpu.memory_space<vmem>> -> memref<256xi32, #tpu.memory_space<vmem>>
        %dma_start3A_15 = arith.constant 0 : i32
        %dma_start3A_16 = arith.constant 0 : i32
        %dma_start3A_17 = tpu.memref_slice %arg8[%dma_start3A_15, %dma_start3A_16] : memref<10112x8xf32, #tpu.memory_space<vmem_shared>> -> memref<10112x8xf32, #tpu.memory_space<vmem_shared>>
        tpu.enqueue_indirect_dma source(%arg7 : memref<256x8xf32, #tpu.memory_space<vmem>>) target(%dma_start3A_17 : memref<10112x8xf32, #tpu.memory_space<vmem_shared>>) offsets(%dma_start3A_14 : memref<256xi32, #tpu.memory_space<vmem>>) semaphore(%run_scoped3A : memref<!tpu.dma_semaphore, #tpu.memory_space<semaphore_mem>>) {add = true}
        %dma_wait3A = arith.constant 0 : i32
        %dma_wait3A_18 = tpu.memref_slice %arg6[%scan3A_12, %dma_wait3A] : memref<40x256xi32, #tpu.memory_space<vmem>> -> memref<1x256xi32, #tpu.memory_space<vmem>>
        %dma_wait3A_19 = tpu.memref_squeeze %dma_wait3A_18 : memref<1x256xi32, #tpu.memory_space<vmem>> -> memref<256xi32, #tpu.memory_space<vmem>>
        %dma_wait3A_20 = arith.constant 0 : i32
        %dma_wait3A_21 = arith.constant 0 : i32
        %dma_wait3A_22 = tpu.memref_slice %arg8[%dma_wait3A_20, %dma_wait3A_21] : memref<10112x8xf32, #tpu.memory_space<vmem_shared>> -> memref<10112x8xf32, #tpu.memory_space<vmem_shared>>
        tpu.wait_indirect_dma semaphore(%run_scoped3A : memref<!tpu.dma_semaphore, #tpu.memory_space<semaphore_mem>>) src(%arg7 : memref<256x8xf32, #tpu.memory_space<vmem>>) dst(%dma_wait3A_22 : memref<10112x8xf32, #tpu.memory_space<vmem_shared>>)
        tpu.yield
      }) : () -> ()
    }
    %scan3A_7 = arith.constant 40 : i32
    %barrier3A_8 = arith.constant 0 : index
    tpu.barrier barrier_id(%barrier3A_8)
    %mul3A_9 = arith.constant 10112 : i32
    %mul3A_10 = arith.muli %arg0, %mul3A_9 : i32
    %add3A_11 = arith.addi %mul3A_10, %mul3A_2 : i32
    "tpu.region"() ({
      %run_scoped3A = tpu.sem_alloc : memref<!tpu.dma_semaphore, #tpu.memory_space<semaphore_mem>>
      %dma_start3A = arith.constant 0 : i32
      %dma_start3A_12 = tpu.memref_slice %arg5[%add3A_11, %dma_start3A] : memref<20224x8xf32, #tpu.memory_space<hbm>> -> memref<632x8xf32, #tpu.memory_space<hbm>>
      %dma_start3A_13 = arith.constant 0 : i32
      %dma_start3A_14 = tpu.memref_slice %arg8[%mul3A_2, %dma_start3A_13] : memref<10112x8xf32, #tpu.memory_space<vmem_shared>> -> memref<632x8xf32, #tpu.memory_space<vmem_shared>>
      tpu.enqueue_dma source(%dma_start3A_14 : memref<632x8xf32, #tpu.memory_space<vmem_shared>>) target(%dma_start3A_12 : memref<632x8xf32, #tpu.memory_space<hbm>>) target_semaphore(%run_scoped3A : memref<!tpu.dma_semaphore, #tpu.memory_space<semaphore_mem>>)
      %dma_wait3A = arith.constant 0 : i32
      %dma_wait3A_15 = tpu.memref_slice %arg5[%add3A_11, %dma_wait3A] : memref<20224x8xf32, #tpu.memory_space<hbm>> -> memref<632x8xf32, #tpu.memory_space<hbm>>
      %dma_wait3A_16 = arith.constant 0 : i32
      %dma_wait3A_17 = tpu.memref_slice %arg8[%mul3A_2, %dma_wait3A_16] : memref<10112x8xf32, #tpu.memory_space<vmem_shared>> -> memref<632x8xf32, #tpu.memory_space<vmem_shared>>
      tpu.wait_dma2 semaphore(%run_scoped3A : memref<!tpu.dma_semaphore, #tpu.memory_space<semaphore_mem>>) src(%dma_wait3A_17 : memref<632x8xf32, #tpu.memory_space<vmem_shared>>) dst(%dma_wait3A_15 : memref<632x8xf32, #tpu.memory_space<hbm>>)
      tpu.yield
    }) : () -> ()
    return
  }
}

#map = affine_map<(d0, d1) -> (0, 0)>
#map1 = affine_map<(d0, d1) -> (0, 0, 0)>
module attributes {stable_mosaic.version = 14 : i64} {
  func.func @body(%arg0: i32, %arg1: i32, %arg2: memref<10112x64xf32, #tpu.memory_space<hbm>>, %arg3: memref<32x40x256xi32, #tpu.memory_space<hbm>>, %arg4: memref<32x40x256xi32, #tpu.memory_space<hbm>>, %arg5: memref<10112x64xf32, #tpu.memory_space<hbm>>, %arg6: memref<20224x64xf32, #tpu.memory_space<hbm>>, %arg7: memref<40x256xi32, #tpu.memory_space<vmem>>, %arg8: memref<40x256xi32, #tpu.memory_space<vmem>>, %arg9: memref<256x64xf32, #tpu.memory_space<vmem>>, %arg10: memref<10112x64xf32, #tpu.memory_space<vmem_shared>>, %arg11: memref<10112x64xf32, #tpu.memory_space<vmem_shared>>) attributes {dimension_semantics = [#tpu.dimension_semantics<core_parallel>, #tpu.dimension_semantics<subcore_parallel>], iteration_bounds = array<i64: 2, 16>, scalar_prefetch = 0 : i64, scratch_operands = 5 : i64, tpu.core_type = #tpu.core_type<sc_vector_subcore>, window_params = [{transform_indices = #map}, {transform_indices = #map1}, {transform_indices = #map1}, {transform_indices = #map}, {transform_indices = #map}]} {
    %mul3A = arith.constant 16 : i32
    %mul3A_0 = arith.muli %arg0, %mul3A : i32
    %add3A = arith.addi %mul3A_0, %arg1 : i32
    %mul3A_1 = arith.constant 632 : i32
    %mul3A_2 = arith.muli %arg1, %mul3A_1 : i32
    "tpu.region"() ({
      %run_scoped3A = tpu.sem_alloc : memref<!tpu.dma_semaphore, #tpu.memory_space<semaphore_mem>>
      %dma_start3A = arith.constant 0 : i32
      %dma_start3A_12 = tpu.memref_slice %arg10[%mul3A_2, %dma_start3A] : memref<10112x64xf32, #tpu.memory_space<vmem_shared>> -> memref<632x64xf32, #tpu.memory_space<vmem_shared>>
      %dma_start3A_13 = arith.constant 0 : i32
      %dma_start3A_14 = tpu.memref_slice %arg5[%mul3A_2, %dma_start3A_13] : memref<10112x64xf32, #tpu.memory_space<hbm>> -> memref<632x64xf32, #tpu.memory_space<hbm>>
      tpu.enqueue_dma source(%dma_start3A_14 : memref<632x64xf32, #tpu.memory_space<hbm>>) target(%dma_start3A_12 : memref<632x64xf32, #tpu.memory_space<vmem_shared>>) target_semaphore(%run_scoped3A : memref<!tpu.dma_semaphore, #tpu.memory_space<semaphore_mem>>)
      %dma_wait3A = arith.constant 0 : i32
      %dma_wait3A_15 = tpu.memref_slice %arg10[%mul3A_2, %dma_wait3A] : memref<10112x64xf32, #tpu.memory_space<vmem_shared>> -> memref<632x64xf32, #tpu.memory_space<vmem_shared>>
      %dma_wait3A_16 = arith.constant 0 : i32
      %dma_wait3A_17 = tpu.memref_slice %arg5[%mul3A_2, %dma_wait3A_16] : memref<10112x64xf32, #tpu.memory_space<hbm>> -> memref<632x64xf32, #tpu.memory_space<hbm>>
      tpu.wait_dma2 semaphore(%run_scoped3A : memref<!tpu.dma_semaphore, #tpu.memory_space<semaphore_mem>>) src(%dma_wait3A_17 : memref<632x64xf32, #tpu.memory_space<hbm>>) dst(%dma_wait3A_15 : memref<632x64xf32, #tpu.memory_space<vmem_shared>>)
      tpu.yield
    }) : () -> ()
    "tpu.region"() ({
      %run_scoped3A = tpu.sem_alloc : memref<!tpu.dma_semaphore, #tpu.memory_space<semaphore_mem>>
      %dma_start3A = arith.constant 0 : i32
      %dma_start3A_12 = tpu.memref_slice %arg11[%mul3A_2, %dma_start3A] : memref<10112x64xf32, #tpu.memory_space<vmem_shared>> -> memref<632x64xf32, #tpu.memory_space<vmem_shared>>
      %dma_start3A_13 = arith.constant 0 : i32
      %dma_start3A_14 = tpu.memref_slice %arg2[%mul3A_2, %dma_start3A_13] : memref<10112x64xf32, #tpu.memory_space<hbm>> -> memref<632x64xf32, #tpu.memory_space<hbm>>
      tpu.enqueue_dma source(%dma_start3A_14 : memref<632x64xf32, #tpu.memory_space<hbm>>) target(%dma_start3A_12 : memref<632x64xf32, #tpu.memory_space<vmem_shared>>) target_semaphore(%run_scoped3A : memref<!tpu.dma_semaphore, #tpu.memory_space<semaphore_mem>>)
      %dma_wait3A = arith.constant 0 : i32
      %dma_wait3A_15 = tpu.memref_slice %arg11[%mul3A_2, %dma_wait3A] : memref<10112x64xf32, #tpu.memory_space<vmem_shared>> -> memref<632x64xf32, #tpu.memory_space<vmem_shared>>
      %dma_wait3A_16 = arith.constant 0 : i32
      %dma_wait3A_17 = tpu.memref_slice %arg2[%mul3A_2, %dma_wait3A_16] : memref<10112x64xf32, #tpu.memory_space<hbm>> -> memref<632x64xf32, #tpu.memory_space<hbm>>
      tpu.wait_dma2 semaphore(%run_scoped3A : memref<!tpu.dma_semaphore, #tpu.memory_space<semaphore_mem>>) src(%dma_wait3A_17 : memref<632x64xf32, #tpu.memory_space<hbm>>) dst(%dma_wait3A_15 : memref<632x64xf32, #tpu.memory_space<vmem_shared>>)
      tpu.yield
    }) : () -> ()
    "tpu.region"() ({
      %run_scoped3A = tpu.sem_alloc : memref<!tpu.dma_semaphore, #tpu.memory_space<semaphore_mem>>
      %dma_start3A = arith.constant 0 : i32
      %dma_start3A_12 = arith.constant 0 : i32
      %dma_start3A_13 = tpu.memref_slice %arg3[%add3A, %dma_start3A, %dma_start3A_12] : memref<32x40x256xi32, #tpu.memory_space<hbm>> -> memref<1x40x256xi32, #tpu.memory_space<hbm>>
      %dma_start3A_14 = tpu.memref_squeeze %dma_start3A_13 : memref<1x40x256xi32, #tpu.memory_space<hbm>> -> memref<40x256xi32, #tpu.memory_space<hbm>>
      %dma_start3A_15 = arith.constant 0 : i32
      %dma_start3A_16 = arith.constant 0 : i32
      %dma_start3A_17 = tpu.memref_slice %arg3[%add3A, %dma_start3A_15, %dma_start3A_16] : memref<32x40x256xi32, #tpu.memory_space<hbm>> -> memref<1x40x256xi32, #tpu.memory_space<hbm>>
      %dma_start3A_18 = tpu.memref_squeeze %dma_start3A_17 : memref<1x40x256xi32, #tpu.memory_space<hbm>> -> memref<40x256xi32, #tpu.memory_space<hbm>>
      tpu.enqueue_dma source(%dma_start3A_18 : memref<40x256xi32, #tpu.memory_space<hbm>>) target(%arg7 : memref<40x256xi32, #tpu.memory_space<vmem>>) target_semaphore(%run_scoped3A : memref<!tpu.dma_semaphore, #tpu.memory_space<semaphore_mem>>)
      %dma_wait3A = arith.constant 0 : i32
      %dma_wait3A_19 = arith.constant 0 : i32
      %dma_wait3A_20 = tpu.memref_slice %arg3[%add3A, %dma_wait3A, %dma_wait3A_19] : memref<32x40x256xi32, #tpu.memory_space<hbm>> -> memref<1x40x256xi32, #tpu.memory_space<hbm>>
      %dma_wait3A_21 = tpu.memref_squeeze %dma_wait3A_20 : memref<1x40x256xi32, #tpu.memory_space<hbm>> -> memref<40x256xi32, #tpu.memory_space<hbm>>
      %dma_wait3A_22 = arith.constant 0 : i32
      %dma_wait3A_23 = arith.constant 0 : i32
      %dma_wait3A_24 = tpu.memref_slice %arg3[%add3A, %dma_wait3A_22, %dma_wait3A_23] : memref<32x40x256xi32, #tpu.memory_space<hbm>> -> memref<1x40x256xi32, #tpu.memory_space<hbm>>
      %dma_wait3A_25 = tpu.memref_squeeze %dma_wait3A_24 : memref<1x40x256xi32, #tpu.memory_space<hbm>> -> memref<40x256xi32, #tpu.memory_space<hbm>>
      tpu.wait_dma2 semaphore(%run_scoped3A : memref<!tpu.dma_semaphore, #tpu.memory_space<semaphore_mem>>) src(%dma_wait3A_25 : memref<40x256xi32, #tpu.memory_space<hbm>>) dst(%arg7 : memref<40x256xi32, #tpu.memory_space<vmem>>)
      tpu.yield
    }) : () -> ()
    "tpu.region"() ({
      %run_scoped3A = tpu.sem_alloc : memref<!tpu.dma_semaphore, #tpu.memory_space<semaphore_mem>>
      %dma_start3A = arith.constant 0 : i32
      %dma_start3A_12 = arith.constant 0 : i32
      %dma_start3A_13 = tpu.memref_slice %arg4[%add3A, %dma_start3A, %dma_start3A_12] : memref<32x40x256xi32, #tpu.memory_space<hbm>> -> memref<1x40x256xi32, #tpu.memory_space<hbm>>
      %dma_start3A_14 = tpu.memref_squeeze %dma_start3A_13 : memref<1x40x256xi32, #tpu.memory_space<hbm>> -> memref<40x256xi32, #tpu.memory_space<hbm>>
      %dma_start3A_15 = arith.constant 0 : i32
      %dma_start3A_16 = arith.constant 0 : i32
      %dma_start3A_17 = tpu.memref_slice %arg4[%add3A, %dma_start3A_15, %dma_start3A_16] : memref<32x40x256xi32, #tpu.memory_space<hbm>> -> memref<1x40x256xi32, #tpu.memory_space<hbm>>
      %dma_start3A_18 = tpu.memref_squeeze %dma_start3A_17 : memref<1x40x256xi32, #tpu.memory_space<hbm>> -> memref<40x256xi32, #tpu.memory_space<hbm>>
      tpu.enqueue_dma source(%dma_start3A_18 : memref<40x256xi32, #tpu.memory_space<hbm>>) target(%arg8 : memref<40x256xi32, #tpu.memory_space<vmem>>) target_semaphore(%run_scoped3A : memref<!tpu.dma_semaphore, #tpu.memory_space<semaphore_mem>>)
      %dma_wait3A = arith.constant 0 : i32
      %dma_wait3A_19 = arith.constant 0 : i32
      %dma_wait3A_20 = tpu.memref_slice %arg4[%add3A, %dma_wait3A, %dma_wait3A_19] : memref<32x40x256xi32, #tpu.memory_space<hbm>> -> memref<1x40x256xi32, #tpu.memory_space<hbm>>
      %dma_wait3A_21 = tpu.memref_squeeze %dma_wait3A_20 : memref<1x40x256xi32, #tpu.memory_space<hbm>> -> memref<40x256xi32, #tpu.memory_space<hbm>>
      %dma_wait3A_22 = arith.constant 0 : i32
      %dma_wait3A_23 = arith.constant 0 : i32
      %dma_wait3A_24 = tpu.memref_slice %arg4[%add3A, %dma_wait3A_22, %dma_wait3A_23] : memref<32x40x256xi32, #tpu.memory_space<hbm>> -> memref<1x40x256xi32, #tpu.memory_space<hbm>>
      %dma_wait3A_25 = tpu.memref_squeeze %dma_wait3A_24 : memref<1x40x256xi32, #tpu.memory_space<hbm>> -> memref<40x256xi32, #tpu.memory_space<hbm>>
      tpu.wait_dma2 semaphore(%run_scoped3A : memref<!tpu.dma_semaphore, #tpu.memory_space<semaphore_mem>>) src(%dma_wait3A_25 : memref<40x256xi32, #tpu.memory_space<hbm>>) dst(%arg8 : memref<40x256xi32, #tpu.memory_space<vmem>>)
      tpu.yield
    }) : () -> ()
    %barrier3A = arith.constant 0 : index
    tpu.barrier barrier_id(%barrier3A)
    %scan3A = arith.constant 0 : i32
    %scan3A_3 = arith.constant 0 : i32
    %scan3A_4 = arith.constant 40 : i32
    %scan3A_5 = arith.addi %scan3A_3, %scan3A_4 : i32
    %scan3A_6 = arith.constant 1 : i32
    scf.for %scan3A_12 = %scan3A_3 to %scan3A_5 step %scan3A_6  : i32 {
      "tpu.region"() ({
        %run_scoped3A = tpu.sem_alloc : memref<!tpu.dma_semaphore, #tpu.memory_space<semaphore_mem>>
        %dma_start3A = arith.constant 0 : i32
        %dma_start3A_13 = tpu.memref_slice %arg7[%scan3A_12, %dma_start3A] : memref<40x256xi32, #tpu.memory_space<vmem>> -> memref<1x256xi32, #tpu.memory_space<vmem>>
        %dma_start3A_14 = tpu.memref_squeeze %dma_start3A_13 : memref<1x256xi32, #tpu.memory_space<vmem>> -> memref<256xi32, #tpu.memory_space<vmem>>
        %dma_start3A_15 = arith.constant 0 : i32
        %dma_start3A_16 = arith.constant 0 : i32
        %dma_start3A_17 = tpu.memref_slice %arg11[%dma_start3A_15, %dma_start3A_16] : memref<10112x64xf32, #tpu.memory_space<vmem_shared>> -> memref<10112x64xf32, #tpu.memory_space<vmem_shared>>
        tpu.enqueue_indirect_dma source(%dma_start3A_17 : memref<10112x64xf32, #tpu.memory_space<vmem_shared>>) target(%arg9 : memref<256x64xf32, #tpu.memory_space<vmem>>) offsets(%dma_start3A_14 : memref<256xi32, #tpu.memory_space<vmem>>) semaphore(%run_scoped3A : memref<!tpu.dma_semaphore, #tpu.memory_space<semaphore_mem>>)
        %dma_wait3A = arith.constant 0 : i32
        %dma_wait3A_18 = tpu.memref_slice %arg7[%scan3A_12, %dma_wait3A] : memref<40x256xi32, #tpu.memory_space<vmem>> -> memref<1x256xi32, #tpu.memory_space<vmem>>
        %dma_wait3A_19 = tpu.memref_squeeze %dma_wait3A_18 : memref<1x256xi32, #tpu.memory_space<vmem>> -> memref<256xi32, #tpu.memory_space<vmem>>
        %dma_wait3A_20 = arith.constant 0 : i32
        %dma_wait3A_21 = arith.constant 0 : i32
        %dma_wait3A_22 = tpu.memref_slice %arg11[%dma_wait3A_20, %dma_wait3A_21] : memref<10112x64xf32, #tpu.memory_space<vmem_shared>> -> memref<10112x64xf32, #tpu.memory_space<vmem_shared>>
        tpu.wait_indirect_dma semaphore(%run_scoped3A : memref<!tpu.dma_semaphore, #tpu.memory_space<semaphore_mem>>) src(%dma_wait3A_22 : memref<10112x64xf32, #tpu.memory_space<vmem_shared>>) dst(%arg9 : memref<256x64xf32, #tpu.memory_space<vmem>>)
        tpu.yield
      }) : () -> ()
      "tpu.region"() ({
        %run_scoped3A = tpu.sem_alloc : memref<!tpu.dma_semaphore, #tpu.memory_space<semaphore_mem>>
        %dma_start3A = arith.constant 0 : i32
        %dma_start3A_13 = tpu.memref_slice %arg8[%scan3A_12, %dma_start3A] : memref<40x256xi32, #tpu.memory_space<vmem>> -> memref<1x256xi32, #tpu.memory_space<vmem>>
        %dma_start3A_14 = tpu.memref_squeeze %dma_start3A_13 : memref<1x256xi32, #tpu.memory_space<vmem>> -> memref<256xi32, #tpu.memory_space<vmem>>
        %dma_start3A_15 = arith.constant 0 : i32
        %dma_start3A_16 = arith.constant 0 : i32
        %dma_start3A_17 = tpu.memref_slice %arg10[%dma_start3A_15, %dma_start3A_16] : memref<10112x64xf32, #tpu.memory_space<vmem_shared>> -> memref<10112x64xf32, #tpu.memory_space<vmem_shared>>
        tpu.enqueue_indirect_dma source(%arg9 : memref<256x64xf32, #tpu.memory_space<vmem>>) target(%dma_start3A_17 : memref<10112x64xf32, #tpu.memory_space<vmem_shared>>) offsets(%dma_start3A_14 : memref<256xi32, #tpu.memory_space<vmem>>) semaphore(%run_scoped3A : memref<!tpu.dma_semaphore, #tpu.memory_space<semaphore_mem>>) {add = true}
        %dma_wait3A = arith.constant 0 : i32
        %dma_wait3A_18 = tpu.memref_slice %arg8[%scan3A_12, %dma_wait3A] : memref<40x256xi32, #tpu.memory_space<vmem>> -> memref<1x256xi32, #tpu.memory_space<vmem>>
        %dma_wait3A_19 = tpu.memref_squeeze %dma_wait3A_18 : memref<1x256xi32, #tpu.memory_space<vmem>> -> memref<256xi32, #tpu.memory_space<vmem>>
        %dma_wait3A_20 = arith.constant 0 : i32
        %dma_wait3A_21 = arith.constant 0 : i32
        %dma_wait3A_22 = tpu.memref_slice %arg10[%dma_wait3A_20, %dma_wait3A_21] : memref<10112x64xf32, #tpu.memory_space<vmem_shared>> -> memref<10112x64xf32, #tpu.memory_space<vmem_shared>>
        tpu.wait_indirect_dma semaphore(%run_scoped3A : memref<!tpu.dma_semaphore, #tpu.memory_space<semaphore_mem>>) src(%arg9 : memref<256x64xf32, #tpu.memory_space<vmem>>) dst(%dma_wait3A_22 : memref<10112x64xf32, #tpu.memory_space<vmem_shared>>)
        tpu.yield
      }) : () -> ()
    }
    %scan3A_7 = arith.constant 40 : i32
    %barrier3A_8 = arith.constant 0 : index
    tpu.barrier barrier_id(%barrier3A_8)
    %mul3A_9 = arith.constant 10112 : i32
    %mul3A_10 = arith.muli %arg0, %mul3A_9 : i32
    %add3A_11 = arith.addi %mul3A_10, %mul3A_2 : i32
    "tpu.region"() ({
      %run_scoped3A = tpu.sem_alloc : memref<!tpu.dma_semaphore, #tpu.memory_space<semaphore_mem>>
      %dma_start3A = arith.constant 0 : i32
      %dma_start3A_12 = tpu.memref_slice %arg6[%add3A_11, %dma_start3A] : memref<20224x64xf32, #tpu.memory_space<hbm>> -> memref<632x64xf32, #tpu.memory_space<hbm>>
      %dma_start3A_13 = arith.constant 0 : i32
      %dma_start3A_14 = tpu.memref_slice %arg10[%mul3A_2, %dma_start3A_13] : memref<10112x64xf32, #tpu.memory_space<vmem_shared>> -> memref<632x64xf32, #tpu.memory_space<vmem_shared>>
      tpu.enqueue_dma source(%dma_start3A_14 : memref<632x64xf32, #tpu.memory_space<vmem_shared>>) target(%dma_start3A_12 : memref<632x64xf32, #tpu.memory_space<hbm>>) target_semaphore(%run_scoped3A : memref<!tpu.dma_semaphore, #tpu.memory_space<semaphore_mem>>)
      %dma_wait3A = arith.constant 0 : i32
      %dma_wait3A_15 = tpu.memref_slice %arg6[%add3A_11, %dma_wait3A] : memref<20224x64xf32, #tpu.memory_space<hbm>> -> memref<632x64xf32, #tpu.memory_space<hbm>>
      %dma_wait3A_16 = arith.constant 0 : i32
      %dma_wait3A_17 = tpu.memref_slice %arg10[%mul3A_2, %dma_wait3A_16] : memref<10112x64xf32, #tpu.memory_space<vmem_shared>> -> memref<632x64xf32, #tpu.memory_space<vmem_shared>>
      tpu.wait_dma2 semaphore(%run_scoped3A : memref<!tpu.dma_semaphore, #tpu.memory_space<semaphore_mem>>) src(%dma_wait3A_17 : memref<632x64xf32, #tpu.memory_space<vmem_shared>>) dst(%dma_wait3A_15 : memref<632x64xf32, #tpu.memory_space<hbm>>)
      tpu.yield
    }) : () -> ()
    return
  }
}

module attributes {stable_mosaic.version = 14 : i64} {
  func.func @_tc1a_body(%arg0: memref<10112x128xf32, #tpu.memory_space<vmem>>, %arg1: memref<128x32xf32, #tpu.memory_space<vmem>>, %arg2: memref<10112x32xf32, #tpu.memory_space<vmem>>) attributes {dimension_semantics = [], scalar_prefetch = 0 : i64, scratch_operands = 0 : i64, tpu.core_type = #tpu.core_type<tc>} {
    %get3A = arith.constant 0 : index
    %get3A_0 = arith.constant 0 : index
    %get3A_1 = vector.load %arg0[%get3A, %get3A_0] : memref<10112x128xf32, #tpu.memory_space<vmem>>, vector<10112x128xf32>
    %get3A_2 = arith.constant 0 : index
    %get3A_3 = arith.constant 0 : index
    %get3A_4 = vector.load %arg1[%get3A_2, %get3A_3] : memref<128x32xf32, #tpu.memory_space<vmem>>, vector<128x32xf32>
    %dot_general3A = arith.constant dense<0.000000e+00> : vector<10112x32xf32>
    %dot_general3A_5 = tpu.matmul %get3A_1, %get3A_4, %dot_general3A {dimension_numbers = #tpu.dot_dimension_numbers<[1], [0], [0], [1], [0, 0, 1, 1], [], []>, transpose_lhs_hint = false} : vector<10112x128xf32>, vector<128x32xf32>, vector<10112x32xf32> -> vector<10112x32xf32>
    %swap3A = arith.constant 0 : index
    %swap3A_6 = arith.constant 0 : index
    %swap3A_7 = vector.load %arg2[%swap3A, %swap3A_6] : memref<10112x32xf32, #tpu.memory_space<vmem>>, vector<10112x32xf32>
    tpu.vector_store %arg2[%swap3A, %swap3A_6], %dot_general3A_5 {strides = array<i32>} : memref<10112x32xf32, #tpu.memory_space<vmem>>, vector<10112x32xf32>,
    return
  }
}

module attributes {stable_mosaic.version = 14 : i64} {
  func.func @_tc1b_body(%arg0: memref<20224x8xf32, #tpu.memory_space<vmem>>, %arg1: memref<10112x32xf32, #tpu.memory_space<vmem>>, %arg2: memref<10112x1xf32, #tpu.memory_space<vmem>>, %arg3: memref<10112x32xf32, #tpu.memory_space<vmem>>) attributes {dimension_semantics = [], scalar_prefetch = 0 : i64, scratch_operands = 0 : i64, tpu.core_type = #tpu.core_type<tc>} {
    %get3A = arith.constant 0 : index
    %get3A_0 = arith.constant 0 : index
    %get3A_1 = vector.load %arg0[%get3A, %get3A_0] : memref<20224x8xf32, #tpu.memory_space<vmem>>, vector<10112x1xf32>
    %get3A_2 = arith.constant 10112 : index
    %get3A_3 = arith.constant 0 : index
    %get3A_4 = vector.load %arg0[%get3A_2, %get3A_3] : memref<20224x8xf32, #tpu.memory_space<vmem>>, vector<10112x1xf32>
    %add3A = arith.addf %get3A_1, %get3A_4 : vector<10112x1xf32>
    %add3A_5 = arith.constant 1.000000e+00 : f32
    %add3A_6 = vector.broadcast %add3A_5 : f32 to vector<10112x1xf32>
    %add3A_7 = arith.addf %add3A, %add3A_6 : vector<10112x1xf32>
    %rsqrt3A = math.rsqrt %add3A_7 : vector<10112x1xf32>
    %swap3A = arith.constant 0 : index
    %swap3A_8 = arith.constant 0 : index
    %swap3A_9 = vector.load %arg2[%swap3A, %swap3A_8] : memref<10112x1xf32, #tpu.memory_space<vmem>>, vector<10112x1xf32>
    tpu.vector_store %arg2[%swap3A, %swap3A_8], %rsqrt3A {strides = array<i32>} : memref<10112x1xf32, #tpu.memory_space<vmem>>, vector<10112x1xf32>,
    %get3A_10 = arith.constant 0 : index
    %get3A_11 = arith.constant 0 : index
    %get3A_12 = vector.load %arg1[%get3A_10, %get3A_11] : memref<10112x32xf32, #tpu.memory_space<vmem>>, vector<10112x32xf32>
    %mul3A = vector.broadcast %rsqrt3A : vector<10112x1xf32> to vector<10112x32xf32>
    %mul3A_13 = arith.mulf %get3A_12, %mul3A : vector<10112x32xf32>
    %swap3A_14 = arith.constant 0 : index
    %swap3A_15 = arith.constant 0 : index
    %swap3A_16 = vector.load %arg3[%swap3A_14, %swap3A_15] : memref<10112x32xf32, #tpu.memory_space<vmem>>, vector<10112x32xf32>
    tpu.vector_store %arg3[%swap3A_14, %swap3A_15], %mul3A_13 {strides = array<i32>} : memref<10112x32xf32, #tpu.memory_space<vmem>>, vector<10112x32xf32>,
    return
  }
}

module attributes {stable_mosaic.version = 14 : i64} {
  func.func @_tc2_body(%arg0: memref<20224x32xf32, #tpu.memory_space<vmem>>, %arg1: memref<10112x32xf32, #tpu.memory_space<vmem>>, %arg2: memref<10112x1xf32, #tpu.memory_space<vmem>>, %arg3: memref<32x64xf32, #tpu.memory_space<vmem>>, %arg4: memref<1x32xf32, #tpu.memory_space<vmem>>, %arg5: memref<10112x32xf32, #tpu.memory_space<vmem>>, %arg6: memref<10112x64xf32, #tpu.memory_space<vmem>>) attributes {dimension_semantics = [], scalar_prefetch = 0 : i64, scratch_operands = 0 : i64, tpu.core_type = #tpu.core_type<tc>} {
    %get3A = arith.constant 0 : index
    %get3A_0 = arith.constant 0 : index
    %get3A_1 = vector.load %arg0[%get3A, %get3A_0] : memref<20224x32xf32, #tpu.memory_space<vmem>>, vector<10112x32xf32>
    %get3A_2 = arith.constant 10112 : index
    %get3A_3 = arith.constant 0 : index
    %get3A_4 = vector.load %arg0[%get3A_2, %get3A_3] : memref<20224x32xf32, #tpu.memory_space<vmem>>, vector<10112x32xf32>
    %add3A = arith.addf %get3A_1, %get3A_4 : vector<10112x32xf32>
    %get3A_5 = arith.constant 0 : index
    %get3A_6 = arith.constant 0 : index
    %get3A_7 = vector.load %arg1[%get3A_5, %get3A_6] : memref<10112x32xf32, #tpu.memory_space<vmem>>, vector<10112x32xf32>
    %add3A_8 = arith.addf %add3A, %get3A_7 : vector<10112x32xf32>
    %get3A_9 = arith.constant 0 : index
    %get3A_10 = arith.constant 0 : index
    %get3A_11 = vector.load %arg2[%get3A_9, %get3A_10] : memref<10112x1xf32, #tpu.memory_space<vmem>>, vector<10112x1xf32>
    %mul3A = vector.broadcast %get3A_11 : vector<10112x1xf32> to vector<10112x32xf32>
    %mul3A_12 = arith.mulf %mul3A, %add3A_8 : vector<10112x32xf32>
    %get3A_13 = arith.constant 0 : index
    %get3A_14 = arith.constant 0 : index
    %get3A_15 = vector.load %arg4[%get3A_13, %get3A_14] : memref<1x32xf32, #tpu.memory_space<vmem>>, vector<1x32xf32>
    %add3A_16 = vector.broadcast %get3A_15 : vector<1x32xf32> to vector<10112x32xf32>
    %add3A_17 = arith.addf %mul3A_12, %add3A_16 : vector<10112x32xf32>
    %iota3A = tpu.iota {dimensions = array<i32: 0>} : vector<10112x1xi32>
    %lt3A = arith.constant 10000 : i32
    %lt3A_18 = vector.broadcast %lt3A : i32 to vector<10112x1xi32>
    %lt3A_19 = arith.cmpi slt, %iota3A, %lt3A_18 : vector<10112x1xi32>
    %jit3A = arith.constant 0.000000e+00 : f32
    %broadcast_in_dim3A = vector.shape_cast %lt3A_19 : vector<10112x1xi1> to vector<10112x1xi1>
    %broadcast_in_dim3A_20 = vector.broadcast %broadcast_in_dim3A : vector<10112x1xi1> to vector<10112x32xi1>
    %broadcast_in_dim3A_21 = vector.broadcast %jit3A : f32 to vector<10112x32xf32>
    %select_n3A = arith.select %broadcast_in_dim3A_20, %add3A_17, %broadcast_in_dim3A_21 : vector<10112x32xi1>, vector<10112x32xf32>
    %get3A_22 = arith.constant 0 : index
    %get3A_23 = arith.constant 0 : index
    %get3A_24 = vector.load %arg3[%get3A_22, %get3A_23] : memref<32x64xf32, #tpu.memory_space<vmem>>, vector<32x64xf32>
    %dot_general3A = arith.constant dense<0.000000e+00> : vector<10112x64xf32>
    %dot_general3A_25 = tpu.matmul %select_n3A, %get3A_24, %dot_general3A {dimension_numbers = #tpu.dot_dimension_numbers<[1], [0], [0], [1], [0, 0, 1, 1], [], []>, transpose_lhs_hint = false} : vector<10112x32xf32>, vector<32x64xf32>, vector<10112x64xf32> -> vector<10112x64xf32>
    %swap3A = arith.constant 0 : index
    %swap3A_26 = arith.constant 0 : index
    %swap3A_27 = vector.load %arg5[%swap3A, %swap3A_26] : memref<10112x32xf32, #tpu.memory_space<vmem>>, vector<10112x32xf32>
    tpu.vector_store %arg5[%swap3A, %swap3A_26], %select_n3A {strides = array<i32>} : memref<10112x32xf32, #tpu.memory_space<vmem>>, vector<10112x32xf32>,
    %get3A_28 = arith.constant 0 : index
    %get3A_29 = arith.constant 0 : index
    %get3A_30 = vector.load %arg2[%get3A_28, %get3A_29] : memref<10112x1xf32, #tpu.memory_space<vmem>>, vector<10112x1xf32>
    %mul3A_31 = vector.broadcast %get3A_30 : vector<10112x1xf32> to vector<10112x64xf32>
    %mul3A_32 = arith.mulf %dot_general3A_25, %mul3A_31 : vector<10112x64xf32>
    %swap3A_33 = arith.constant 0 : index
    %swap3A_34 = arith.constant 0 : index
    %swap3A_35 = vector.load %arg6[%swap3A_33, %swap3A_34] : memref<10112x64xf32, #tpu.memory_space<vmem>>, vector<10112x64xf32>
    tpu.vector_store %arg6[%swap3A_33, %swap3A_34], %mul3A_32 {strides = array<i32>} : memref<10112x64xf32, #tpu.memory_space<vmem>>, vector<10112x64xf32>,
    return
  }
}

module attributes {stable_mosaic.version = 14 : i64} {
  func.func @_tc3_body(%arg0: memref<20224x64xf32, #tpu.memory_space<vmem>>, %arg1: memref<10112x64xf32, #tpu.memory_space<vmem>>, %arg2: memref<10112x32xf32, #tpu.memory_space<vmem>>, %arg3: memref<10112x1xf32, #tpu.memory_space<vmem>>, %arg4: memref<1x64xf32, #tpu.memory_space<vmem>>, %arg5: memref<96x96xf32, #tpu.memory_space<vmem>>, %arg6: memref<1x96xf32, #tpu.memory_space<vmem>>, %arg7: memref<1x96xf32, #tpu.memory_space<vmem>>, %arg8: memref<1x96xf32, #tpu.memory_space<vmem>>, %arg9: memref<96x96xf32, #tpu.memory_space<vmem>>, %arg10: memref<1x96xf32, #tpu.memory_space<vmem>>, %arg11: memref<1x96xf32, #tpu.memory_space<vmem>>, %arg12: memref<1x96xf32, #tpu.memory_space<vmem>>, %arg13: memref<96x10xf32, #tpu.memory_space<vmem>>, %arg14: memref<1x10xf32, #tpu.memory_space<vmem>>, %arg15: memref<1x10xf32, #tpu.memory_space<vmem>>, %arg16: memref<1x10xf32, #tpu.memory_space<vmem>>, %arg17: memref<10000x10xf32, #tpu.memory_space<vmem>>) attributes {dimension_semantics = [], scalar_prefetch = 0 : i64, scratch_operands = 0 : i64, tpu.core_type = #tpu.core_type<tc>} {
    %get3A = arith.constant 0 : index
    %get3A_0 = arith.constant 0 : index
    %get3A_1 = vector.load %arg3[%get3A, %get3A_0] : memref<10112x1xf32, #tpu.memory_space<vmem>>, vector<10112x1xf32>
    %get3A_2 = arith.constant 0 : index
    %get3A_3 = arith.constant 0 : index
    %get3A_4 = vector.load %arg0[%get3A_2, %get3A_3] : memref<20224x64xf32, #tpu.memory_space<vmem>>, vector<10112x64xf32>
    %get3A_5 = arith.constant 10112 : index
    %get3A_6 = arith.constant 0 : index
    %get3A_7 = vector.load %arg0[%get3A_5, %get3A_6] : memref<20224x64xf32, #tpu.memory_space<vmem>>, vector<10112x64xf32>
    %add3A = arith.addf %get3A_4, %get3A_7 : vector<10112x64xf32>
    %get3A_8 = arith.constant 0 : index
    %get3A_9 = arith.constant 0 : index
    %get3A_10 = vector.load %arg1[%get3A_8, %get3A_9] : memref<10112x64xf32, #tpu.memory_space<vmem>>, vector<10112x64xf32>
    %add3A_11 = arith.addf %add3A, %get3A_10 : vector<10112x64xf32>
    %mul3A = vector.broadcast %get3A_1 : vector<10112x1xf32> to vector<10112x64xf32>
    %mul3A_12 = arith.mulf %mul3A, %add3A_11 : vector<10112x64xf32>
    %get3A_13 = arith.constant 0 : index
    %get3A_14 = arith.constant 0 : index
    %get3A_15 = vector.load %arg4[%get3A_13, %get3A_14] : memref<1x64xf32, #tpu.memory_space<vmem>>, vector<1x64xf32>
    %add3A_16 = vector.broadcast %get3A_15 : vector<1x64xf32> to vector<10112x64xf32>
    %add3A_17 = arith.addf %mul3A_12, %add3A_16 : vector<10112x64xf32>
    %get3A_18 = arith.constant 0 : index
    %get3A_19 = arith.constant 0 : index
    %get3A_20 = vector.load %arg2[%get3A_18, %get3A_19] : memref<10112x32xf32, #tpu.memory_space<vmem>>, vector<10000x32xf32>
    %slice3A = vector.extract_strided_slice %add3A_17 {offsets = [0, 0], sizes = [10000, 64], strides = [1, 1]} : vector<10112x64xf32> to vector<10000x64xf32>
    %concatenate3A = tpu.concatenate %get3A_20, %slice3A in 1 : vector<10000x32xf32>, vector<10000x64xf32> -> vector<10000x96xf32>
    %broadcast_in_dim3A = arith.constant 1.000000e+00 : f32
    %broadcast_in_dim3A_21 = vector.broadcast %broadcast_in_dim3A : f32 to vector<1x10000xf32>
    %get3A_22 = arith.constant 0 : index
    %get3A_23 = arith.constant 0 : index
    %get3A_24 = vector.load %arg5[%get3A_22, %get3A_23] : memref<96x96xf32, #tpu.memory_space<vmem>>, vector<96x96xf32>
    %get3A_25 = arith.constant 0 : index
    %get3A_26 = arith.constant 0 : index
    %get3A_27 = vector.load %arg6[%get3A_25, %get3A_26] : memref<1x96xf32, #tpu.memory_space<vmem>>, vector<1x96xf32>
    %get3A_28 = arith.constant 0 : index
    %get3A_29 = arith.constant 0 : index
    %get3A_30 = vector.load %arg7[%get3A_28, %get3A_29] : memref<1x96xf32, #tpu.memory_space<vmem>>, vector<1x96xf32>
    %get3A_31 = arith.constant 0 : index
    %get3A_32 = arith.constant 0 : index
    %get3A_33 = vector.load %arg8[%get3A_31, %get3A_32] : memref<1x96xf32, #tpu.memory_space<vmem>>, vector<1x96xf32>
    %dot_general3A = arith.constant dense<0.000000e+00> : vector<10000x96xf32>
    %dot_general3A_34 = tpu.matmul %concatenate3A, %get3A_24, %dot_general3A {dimension_numbers = #tpu.dot_dimension_numbers<[1], [0], [0], [1], [0, 0, 1, 1], [], []>, transpose_lhs_hint = false} : vector<10000x96xf32>, vector<96x96xf32>, vector<10000x96xf32> -> vector<10000x96xf32>
    %add3A_35 = vector.broadcast %get3A_27 : vector<1x96xf32> to vector<10000x96xf32>
    %add3A_36 = arith.addf %dot_general3A_34, %add3A_35 : vector<10000x96xf32>
    %max3A = arith.constant 0.000000e+00 : f32
    %max3A_37 = vector.broadcast %max3A : f32 to vector<10000x96xf32>
    %max3A_38 = arith.maximumf %add3A_36, %max3A_37 : vector<10000x96xf32>
    %dot_general3A_39 = arith.constant dense<0.000000e+00> : vector<1x96xf32>
    %dot_general3A_40 = tpu.matmul %broadcast_in_dim3A_21, %max3A_38, %dot_general3A_39 {dimension_numbers = #tpu.dot_dimension_numbers<[1], [0], [0], [1], [0, 0, 1, 1], [], []>, transpose_lhs_hint = false} : vector<1x10000xf32>, vector<10000x96xf32>, vector<1x96xf32> -> vector<1x96xf32>
    %mul3A_41 = arith.mulf %max3A_38, %max3A_38 : vector<10000x96xf32>
    %dot_general3A_42 = arith.constant dense<0.000000e+00> : vector<1x96xf32>
    %dot_general3A_43 = tpu.matmul %broadcast_in_dim3A_21, %mul3A_41, %dot_general3A_42 {dimension_numbers = #tpu.dot_dimension_numbers<[1], [0], [0], [1], [0, 0, 1, 1], [], []>, transpose_lhs_hint = false} : vector<1x10000xf32>, vector<10000x96xf32>, vector<1x96xf32> -> vector<1x96xf32>
    %mul3A_44 = arith.constant 9.99999974E-5 : f32
    %mul3A_45 = vector.broadcast %mul3A_44 : f32 to vector<1x96xf32>
    %mul3A_46 = arith.mulf %dot_general3A_40, %mul3A_45 : vector<1x96xf32>
    %mul3A_47 = arith.constant 9.99999974E-5 : f32
    %mul3A_48 = vector.broadcast %mul3A_47 : f32 to vector<1x96xf32>
    %mul3A_49 = arith.mulf %dot_general3A_43, %mul3A_48 : vector<1x96xf32>
    %mul3A_50 = arith.mulf %mul3A_46, %mul3A_46 : vector<1x96xf32>
    %sub3A = arith.subf %mul3A_49, %mul3A_50 : vector<1x96xf32>
    %sub3A_51 = vector.broadcast %mul3A_46 : vector<1x96xf32> to vector<10000x96xf32>
    %sub3A_52 = arith.subf %max3A_38, %sub3A_51 : vector<10000x96xf32>
    %mul3A_53 = vector.broadcast %get3A_30 : vector<1x96xf32> to vector<10000x96xf32>
    %mul3A_54 = arith.mulf %mul3A_53, %sub3A_52 : vector<10000x96xf32>
    %add3A_55 = arith.constant 9.99999974E-6 : f32
    %add3A_56 = vector.broadcast %add3A_55 : f32 to vector<1x96xf32>
    %add3A_57 = arith.addf %sub3A, %add3A_56 : vector<1x96xf32>
    %rsqrt3A = math.rsqrt %add3A_57 : vector<1x96xf32>
    %mul3A_58 = vector.broadcast %rsqrt3A : vector<1x96xf32> to vector<10000x96xf32>
    %mul3A_59 = arith.mulf %mul3A_54, %mul3A_58 : vector<10000x96xf32>
    %add3A_60 = vector.broadcast %get3A_33 : vector<1x96xf32> to vector<10000x96xf32>
    %add3A_61 = arith.addf %mul3A_59, %add3A_60 : vector<10000x96xf32>
    %get3A_62 = arith.constant 0 : index
    %get3A_63 = arith.constant 0 : index
    %get3A_64 = vector.load %arg9[%get3A_62, %get3A_63] : memref<96x96xf32, #tpu.memory_space<vmem>>, vector<96x96xf32>
    %get3A_65 = arith.constant 0 : index
    %get3A_66 = arith.constant 0 : index
    %get3A_67 = vector.load %arg10[%get3A_65, %get3A_66] : memref<1x96xf32, #tpu.memory_space<vmem>>, vector<1x96xf32>
    %get3A_68 = arith.constant 0 : index
    %get3A_69 = arith.constant 0 : index
    %get3A_70 = vector.load %arg11[%get3A_68, %get3A_69] : memref<1x96xf32, #tpu.memory_space<vmem>>, vector<1x96xf32>
    %get3A_71 = arith.constant 0 : index
    %get3A_72 = arith.constant 0 : index
    %get3A_73 = vector.load %arg12[%get3A_71, %get3A_72] : memref<1x96xf32, #tpu.memory_space<vmem>>, vector<1x96xf32>
    %dot_general3A_74 = arith.constant dense<0.000000e+00> : vector<10000x96xf32>
    %dot_general3A_75 = tpu.matmul %add3A_61, %get3A_64, %dot_general3A_74 {dimension_numbers = #tpu.dot_dimension_numbers<[1], [0], [0], [1], [0, 0, 1, 1], [], []>, transpose_lhs_hint = false} : vector<10000x96xf32>, vector<96x96xf32>, vector<10000x96xf32> -> vector<10000x96xf32>
    %add3A_76 = vector.broadcast %get3A_67 : vector<1x96xf32> to vector<10000x96xf32>
    %add3A_77 = arith.addf %dot_general3A_75, %add3A_76 : vector<10000x96xf32>
    %max3A_78 = arith.constant 0.000000e+00 : f32
    %max3A_79 = vector.broadcast %max3A_78 : f32 to vector<10000x96xf32>
    %max3A_80 = arith.maximumf %add3A_77, %max3A_79 : vector<10000x96xf32>
    %dot_general3A_81 = arith.constant dense<0.000000e+00> : vector<1x96xf32>
    %dot_general3A_82 = tpu.matmul %broadcast_in_dim3A_21, %max3A_80, %dot_general3A_81 {dimension_numbers = #tpu.dot_dimension_numbers<[1], [0], [0], [1], [0, 0, 1, 1], [], []>, transpose_lhs_hint = false} : vector<1x10000xf32>, vector<10000x96xf32>, vector<1x96xf32> -> vector<1x96xf32>
    %mul3A_83 = arith.mulf %max3A_80, %max3A_80 : vector<10000x96xf32>
    %dot_general3A_84 = arith.constant dense<0.000000e+00> : vector<1x96xf32>
    %dot_general3A_85 = tpu.matmul %broadcast_in_dim3A_21, %mul3A_83, %dot_general3A_84 {dimension_numbers = #tpu.dot_dimension_numbers<[1], [0], [0], [1], [0, 0, 1, 1], [], []>, transpose_lhs_hint = false} : vector<1x10000xf32>, vector<10000x96xf32>, vector<1x96xf32> -> vector<1x96xf32>
    %mul3A_86 = arith.constant 9.99999974E-5 : f32
    %mul3A_87 = vector.broadcast %mul3A_86 : f32 to vector<1x96xf32>
    %mul3A_88 = arith.mulf %dot_general3A_82, %mul3A_87 : vector<1x96xf32>
    %mul3A_89 = arith.constant 9.99999974E-5 : f32
    %mul3A_90 = vector.broadcast %mul3A_89 : f32 to vector<1x96xf32>
    %mul3A_91 = arith.mulf %dot_general3A_85, %mul3A_90 : vector<1x96xf32>
    %mul3A_92 = arith.mulf %mul3A_88, %mul3A_88 : vector<1x96xf32>
    %sub3A_93 = arith.subf %mul3A_91, %mul3A_92 : vector<1x96xf32>
    %sub3A_94 = vector.broadcast %mul3A_88 : vector<1x96xf32> to vector<10000x96xf32>
    %sub3A_95 = arith.subf %max3A_80, %sub3A_94 : vector<10000x96xf32>
    %mul3A_96 = vector.broadcast %get3A_70 : vector<1x96xf32> to vector<10000x96xf32>
    %mul3A_97 = arith.mulf %mul3A_96, %sub3A_95 : vector<10000x96xf32>
    %add3A_98 = arith.constant 9.99999974E-6 : f32
    %add3A_99 = vector.broadcast %add3A_98 : f32 to vector<1x96xf32>
    %add3A_100 = arith.addf %sub3A_93, %add3A_99 : vector<1x96xf32>
    %rsqrt3A_101 = math.rsqrt %add3A_100 : vector<1x96xf32>
    %mul3A_102 = vector.broadcast %rsqrt3A_101 : vector<1x96xf32> to vector<10000x96xf32>
    %mul3A_103 = arith.mulf %mul3A_97, %mul3A_102 : vector<10000x96xf32>
    %add3A_104 = vector.broadcast %get3A_73 : vector<1x96xf32> to vector<10000x96xf32>
    %add3A_105 = arith.addf %mul3A_103, %add3A_104 : vector<10000x96xf32>
    %get3A_106 = arith.constant 0 : index
    %get3A_107 = arith.constant 0 : index
    %get3A_108 = vector.load %arg13[%get3A_106, %get3A_107] : memref<96x10xf32, #tpu.memory_space<vmem>>, vector<96x10xf32>
    %get3A_109 = arith.constant 0 : index
    %get3A_110 = arith.constant 0 : index
    %get3A_111 = vector.load %arg14[%get3A_109, %get3A_110] : memref<1x10xf32, #tpu.memory_space<vmem>>, vector<1x10xf32>
    %get3A_112 = arith.constant 0 : index
    %get3A_113 = arith.constant 0 : index
    %get3A_114 = vector.load %arg15[%get3A_112, %get3A_113] : memref<1x10xf32, #tpu.memory_space<vmem>>, vector<1x10xf32>
    %get3A_115 = arith.constant 0 : index
    %get3A_116 = arith.constant 0 : index
    %get3A_117 = vector.load %arg16[%get3A_115, %get3A_116] : memref<1x10xf32, #tpu.memory_space<vmem>>, vector<1x10xf32>
    %dot_general3A_118 = arith.constant dense<0.000000e+00> : vector<10000x10xf32>
    %dot_general3A_119 = tpu.matmul %add3A_105, %get3A_108, %dot_general3A_118 {dimension_numbers = #tpu.dot_dimension_numbers<[1], [0], [0], [1], [0, 0, 1, 1], [], []>, transpose_lhs_hint = false} : vector<10000x96xf32>, vector<96x10xf32>, vector<10000x10xf32> -> vector<10000x10xf32>
    %add3A_120 = vector.broadcast %get3A_111 : vector<1x10xf32> to vector<10000x10xf32>
    %add3A_121 = arith.addf %dot_general3A_119, %add3A_120 : vector<10000x10xf32>
    %max3A_122 = arith.constant 0.000000e+00 : f32
    %max3A_123 = vector.broadcast %max3A_122 : f32 to vector<10000x10xf32>
    %max3A_124 = arith.maximumf %add3A_121, %max3A_123 : vector<10000x10xf32>
    %dot_general3A_125 = arith.constant dense<0.000000e+00> : vector<1x10xf32>
    %dot_general3A_126 = tpu.matmul %broadcast_in_dim3A_21, %max3A_124, %dot_general3A_125 {dimension_numbers = #tpu.dot_dimension_numbers<[1], [0], [0], [1], [0, 0, 1, 1], [], []>, transpose_lhs_hint = false} : vector<1x10000xf32>, vector<10000x10xf32>, vector<1x10xf32> -> vector<1x10xf32>
    %mul3A_127 = arith.mulf %max3A_124, %max3A_124 : vector<10000x10xf32>
    %dot_general3A_128 = arith.constant dense<0.000000e+00> : vector<1x10xf32>
    %dot_general3A_129 = tpu.matmul %broadcast_in_dim3A_21, %mul3A_127, %dot_general3A_128 {dimension_numbers = #tpu.dot_dimension_numbers<[1], [0], [0], [1], [0, 0, 1, 1], [], []>, transpose_lhs_hint = false} : vector<1x10000xf32>, vector<10000x10xf32>, vector<1x10xf32> -> vector<1x10xf32>
    %mul3A_130 = arith.constant 9.99999974E-5 : f32
    %mul3A_131 = vector.broadcast %mul3A_130 : f32 to vector<1x10xf32>
    %mul3A_132 = arith.mulf %dot_general3A_126, %mul3A_131 : vector<1x10xf32>
    %mul3A_133 = arith.constant 9.99999974E-5 : f32
    %mul3A_134 = vector.broadcast %mul3A_133 : f32 to vector<1x10xf32>
    %mul3A_135 = arith.mulf %dot_general3A_129, %mul3A_134 : vector<1x10xf32>
    %mul3A_136 = arith.mulf %mul3A_132, %mul3A_132 : vector<1x10xf32>
    %sub3A_137 = arith.subf %mul3A_135, %mul3A_136 : vector<1x10xf32>
    %sub3A_138 = vector.broadcast %mul3A_132 : vector<1x10xf32> to vector<10000x10xf32>
    %sub3A_139 = arith.subf %max3A_124, %sub3A_138 : vector<10000x10xf32>
    %mul3A_140 = vector.broadcast %get3A_114 : vector<1x10xf32> to vector<10000x10xf32>
    %mul3A_141 = arith.mulf %mul3A_140, %sub3A_139 : vector<10000x10xf32>
    %add3A_142 = arith.constant 9.99999974E-6 : f32
    %add3A_143 = vector.broadcast %add3A_142 : f32 to vector<1x10xf32>
    %add3A_144 = arith.addf %sub3A_137, %add3A_143 : vector<1x10xf32>
    %rsqrt3A_145 = math.rsqrt %add3A_144 : vector<1x10xf32>
    %mul3A_146 = vector.broadcast %rsqrt3A_145 : vector<1x10xf32> to vector<10000x10xf32>
    %mul3A_147 = arith.mulf %mul3A_141, %mul3A_146 : vector<10000x10xf32>
    %add3A_148 = vector.broadcast %get3A_117 : vector<1x10xf32> to vector<10000x10xf32>
    %add3A_149 = arith.addf %mul3A_147, %add3A_148 : vector<10000x10xf32>
    %swap3A = arith.constant 0 : index
    %swap3A_150 = arith.constant 0 : index
    %swap3A_151 = vector.load %arg17[%swap3A, %swap3A_150] : memref<10000x10xf32, #tpu.memory_space<vmem>>, vector<10000x10xf32>
    tpu.vector_store %arg17[%swap3A, %swap3A_150], %add3A_149 {strides = array<i32>} : memref<10000x10xf32, #tpu.memory_space<vmem>>, vector<10000x10xf32>,
    return
  }
}

</mosaic_0001>

<sc_bundles>
// kernel: kernel.12.cloned.1.call-start
scs
__scs_entry_jumppad:
0x0: {  	(pc) =	sbr.rel $0x88, $3  }
0x1: {  	(tag) =	ssettag $0x0;
	lr =	simm.s32 $0x1  }
0x2: {  	[smem:$0x3F8F] =	sst lr;
	_ =	strace $0xD0000000  }
0x3: {  	_ = 	snop  }
0x4: {  	_ = 	snop  }
0x5: {  	_ = 	snop  }
0x6: {  	_ = 	snop  }
0x7: {  	_ = 	snop  }
__scs_overlays_trampoline_lowered:
0x8: {  	[smem:$0x3F9E] =	sst s0  }
0x9: {  	[smem:$0x3F9F] =	sst s1  }
0xa: {  	[smem:$0x3FA0] =	sst s2  }
0xb: {  	[smem:$0x3FA1] =	sst s3  }
0xc: {  	[smem:$0x3FA2] =	sst s4  }
0xd: {  	[smem:$0x3FA3] =	sst s5  }
0xe: {  	[smem:$0x3FA4] =	sst s6  }
0xf: {  	[smem:$0x3FA5] =	sst s7  }
0x10: {  	[smem:$0x3FA6] =	sst s8  }
0x11: {  	[smem:$0x3FA7] =	sst s9;
	s0 =	simm.s32 @!p0 $0x0  }
0x12: {  	s1 =	sld [smem:$0x3F8D];
	s0 =	simm.s32 @p0 $0x1  }
0x13: {  	[smem:$0x3FA8] =	sst s0;
	s0 =	simm.s32 @!p1 $0x0  }
0x14: {  	s2 =	sld [smem:$0x3F8C];
	s0 =	simm.s32 @p1 $0x1  }
0x15: {  	[smem:$0x3FA9] =	sst s0;
	s0 =	simm.s32 @!p2 $0x0  }
0x16: {  	s3 =	sld [smem:$0x3FDB];
	s0 =	simm.s32 @p2 $0x1  }
0x17: {  	s4 =	simm.s32 $0x1BF5;
	[smem:$0x3FAB] =	sst s0  }
0x18: {  	s0 =	sld [smem:$0x3F8E];
	_ =	swait.ge [sflag:s4], $0x0  }
0x19: {  	s7 =	sld [smem:$0x3F8F]  }
0x1a: {  	s8 =	sadd.s32 $0xFFFFE003, lr  }
0x1b: {  	s9 =	sadd.s32 $0xFFFFFEF7, lr;
	s5 =	simm.s32 $0xFFFFFFFF;
	p2 =	slt.u32 s8, $0xFFFFF086  }
0x1c: {  	p1 =	slt.u32 s9, $0xF7A;
	s5 =	simm.s32 @!p2 $0x0  }
0x1d: {  	s5 =	simm.s32 @p1 $0x1;
	p0 =	seq.s32 s7, s2  }
0x1e: {  	s7 =	smul.u32 @!p0 $0xF7A, s2;
	p2 =	seq.s32 @!p0 s5, $0x0  }
0x1f: {  	s9 =	smul.u32 $0xF7A, s1;
	s8 =	simm.s32 @!p0 $0x1BF5;
	p2 =	por !p2, p0  }
0x20: {  	[sflag:s8] =	ssyncset.s32 @!p0 $0xFFFFF086;
	s6 =	sadd.s32 @!p0 s3, s7;
	s7 =	simm.s32 @!p0 $0x108  }
0x21: {  	s3 =	sadd.s32 s3, s9;
	s6 =	sadd.s32 @!p0 $0x88, s6;
	s7 =	simm.s32 @p2 $0x1082  }
0x22: {  	[simem:s7], [sflag:s8] =	dma.local @!p0 [hbm:s6], $0xF7A  }
0x23: {  	s9 =	sor.u32 $0xD0000000, s2;
	s6 =	simm.s32 $0x108;
	_ =	swait.ge @!p0 [sflag:s8], $0x0  }
0x24: {  	s3 =	sadd.s32 $0x88, s3;
	s6 =	simm.s32 @!p1 $0x1082;
	[sflag:s4] =	ssyncset.s32 $0xFFFFF086  }
0x25: {  	[simem:s6], [sflag:s4] =	dma.local [hbm:s3], $0xF7A  }
0x26: {  	[smem:$0x3F8F] =	sst s1;
	(tag) =	ssettag s2;
	_ =	strace s9  }
0x27: {  	s1 =	sld [smem:$0x3F9F]  }
0x28: {  	s2 =	sld [smem:$0x3FA0]  }
0x29: {  	s4 =	sld [smem:$0x3FA2]  }
0x2a: {  	p0 =	seq.s32 s5, $0x0;
	s5 =	sld [smem:$0x3FA3]  }
0x2b: {  	s6 =	sld [smem:$0x3FA4]  }
0x2c: {  	s7 =	sld [smem:$0x3FA5]  }
0x2d: {  	s3 =	simm.s32 $0x108;
	s8 =	sld [smem:$0x3FA6]  }
0x2e: {  	s3 =	simm.s32 @!p0 $0x1082;
	s9 =	sld [smem:$0x3FA7]  }
0x2f: {  	lr =	sadd.s32 s0, s3;
	s0 =	sld [smem:$0x3F9E]  }
0x30: {  	s3 =	sld [smem:$0x3FA1]  }
0x31: {  	[smem:$0x3FAA] =	sst s10  }
0x32: {  	s10 =	sld [smem:$0x3FA8];
	_ =	sdelay $0x3  }
0x33: {  	p0 =	seq.s32 s10, $0x1;
	s10 =	sld [smem:$0x3FAA];
	_ =	sdelay $0x3  }
0x34: {  	[smem:$0x3FAA] =	sst s10  }
0x35: {  	s10 =	sld [smem:$0x3FA9];
	_ =	sdelay $0x3  }
0x36: {  	p1 =	seq.s32 s10, $0x1;
	s10 =	sld [smem:$0x3FAA];
	_ =	sdelay $0x3  }
0x37: {  	[smem:$0x3FAA] =	sst s10  }
0x38: {  	s10 =	sld [smem:$0x3FAB]  }
0x39: {  	_ = 	snop;
	(pc) =	sbr.ind lr, $3  }
0x3a: {  	_ = 	snop  }
0x3b: {  	_ = 	snop  }
0x3c: {  	p2 =	seq.s32 s10, $0x1;
	s10 =	sld [smem:$0x3FAA]  }
0x3d: {  	_ =	shalt  }
0x3e: {  	_ =	shalt  }
0x3f: {  	_ =	shalt  }
0x40: {  	_ =	shalt  }
0x41: {  	_ =	shalt  }
0x42: {  	_ =	shalt  }
0x43: {  	_ =	shalt  }
0x44: {  	_ =	shalt  }
0x45: {  	_ =	shalt  }
0x46: {  	_ =	shalt  }
0x47: {  	_ =	shalt  }
0x48: {  	_ =	shalt  }
0x49: {  	_ =	shalt  }
0x4a: {  	_ =	shalt  }
0x4b: {  	_ =	shalt  }
0x4c: {  	_ =	shalt  }
0x4d: {  	_ =	shalt  }
0x4e: {  	_ =	shalt  }
0x4f: {  	_ =	shalt  }
0x50: {  	_ =	shalt  }
0x51: {  	_ =	shalt  }
0x52: {  	_ =	shalt  }
0x53: {  	_ =	shalt  }
0x54: {  	_ =	shalt  }
0x55: {  	_ =	shalt  }
0x56: {  	_ =	shalt  }
0x57: {  	_ =	shalt  }
0x58: {  	_ =	shalt  }
0x59: {  	_ =	shalt  }
0x5a: {  	_ =	shalt  }
0x5b: {  	_ =	shalt  }
0x5c: {  	_ =	shalt  }
0x5d: {  	_ =	shalt  }
0x5e: {  	_ =	shalt  }
0x5f: {  	_ =	shalt  }
0x60: {  	_ =	shalt  }
0x61: {  	_ =	shalt  }
0x62: {  	_ =	shalt  }
0x63: {  	_ =	shalt  }
0x64: {  	_ =	shalt  }
0x65: {  	_ =	shalt  }
0x66: {  	_ =	shalt  }
0x67: {  	_ =	shalt  }
0x68: {  	_ =	shalt  }
0x69: {  	_ =	shalt  }
0x6a: {  	_ =	shalt  }
0x6b: {  	_ =	shalt  }
0x6c: {  	_ =	shalt  }
0x6d: {  	_ =	shalt  }
0x6e: {  	_ =	shalt  }
0x6f: {  	_ =	shalt  }
0x70: {  	_ =	shalt  }
0x71: {  	_ =	shalt  }
0x72: {  	_ =	shalt  }
0x73: {  	_ =	shalt  }
0x74: {  	_ =	shalt  }
0x75: {  	_ =	shalt  }
0x76: {  	_ =	shalt  }
0x77: {  	_ =	shalt  }
0x78: {  	_ =	shalt  }
0x79: {  	_ =	shalt  }
0x7a: {  	_ =	shalt  }
0x7b: {  	_ =	shalt  }
0x7c: {  	_ =	shalt  }
0x7d: {  	_ =	shalt  }
0x7e: {  	_ =	shalt  }
0x7f: {  	_ =	shalt  }
0x80: {  	_ =	shalt  }
0x81: {  	_ =	shalt  }
0x82: {  	_ =	shalt  }
0x83: {  	_ =	shalt  }
0x84: {  	_ =	shalt  }
0x85: {  	_ =	shalt  }
0x86: {  	_ =	shalt  }
0x87: {  	_ =	shalt  }
.Lfunc_end0:
.L_simem_size_0:
called_computation.1_lowered:
.L_overlay_start_0:
0x88: {  	s2 =	sld [smem:$0x3FD9]  }
0x89: {  	s3 =	sld [smem:$0x3FFE];
	_ =	sdelay $0x1  }
0x8a: {  	s1 =	srdreg.scid  }
0x8b: {  	s0 =	sand.u32 $0x1, s1  }
0x8c: {  	s16 =	sshll.u32 s0, $0xA;
	s2 =	sadd.s32 s3, s2  }
0x8d: {  	s2 =	sadd.s32 s2, s16  }
0x8e: {  	[smem:$0x3FB6] =	sst s2  }
0x8f: {  	_ = 	snop  }
0x90: {  	(tm) =	ssettm $0x1  }
0x91: {  	s17 =	sld [smem:$0x3FFB];
	_ =	sdelay $0x3  }
0x92: {  	_ =	strace s17  }
0x93: {  	s2 =	sld [smem:$0x3FFC];
	_ =	sdelay $0x3  }
0x94: {  	_ =	strace s2  }
0x95: {  	s2 =	sld [smem:$0x3FFD];
	_ =	sdelay $0x3  }
0x96: {  	_ =	strace s2  }
0x97: {  	_ =	strace $0x8FFFFFFF  }
0x98: {  	s18 =	sld [smem:$0x3FDB];
	_ =	sdelay $0x1  }
0x99: {  	s19 =	simm.s32 $_scs_section_size  }
0x9a: {  	s4 =	simm.s32 $_size__tile_overlayer_lowered;
	s5 =	simm.s32 $_tile_overlayer_lowered  }
0x9b: {  	s22 =	simm.s32 $0x1BFF;
	s21 =	sshll.u32 s5, $0x1;
	s2 =	sadd.s32 s19, s18  }
0x9c: {  	s6 =	simm.s32 $0x0;
	s20 =	sshll.u32 s4, $0x1;
	s4 =	sadd.s32 s21, s2  }
0x9d: {  	[timem:s6], [sflag:s22] =	dma.local [hbm:s4], s20  }
0x9e: {  	_ =	swait.ge [sflag:s22], s20  }
0x9f: {  	s3 =	ssub.s32 $0x0, s20;
	[sflag:s22] =	ssyncset.done $0x0  }
0xa0: {  	[sflag:s22] =	ssyncadd.s32 s3;
	_ =	sdelay $0x1  }
0xa1: {  	s23 =	simm.s32 $0x1B8B  }
0xa2: {  	_ =	swait.ge [sflag:s23], $0x1  }
0xa3: {  	[sflag:s23] =	ssyncset.done $0x0  }
0xa4: {  	s25 =	simm.s32 $0x1B8E;
	s24 =	sld [smem:$0x3FFE];
	[sflag:s23] =	ssyncadd.s32 $0xFFFFFFFF  }
0xa5: {  	s26 =	simm.s32 $execute0_lowered;
	[smem:$0x3FD2] =	sst s25  }
0xa6: {  	s4 =	sshll.u32 s26, $0x1;
	_ =	strace $0x80000049;
	[dreg:$0x1] =	wrdreg $0xFFFFFFFF  }
0xa7: {  	s28 =	simm.s32 $_size_execute0_lowered;
	s2 =	sadd.s32 s2, s4;
	[dreg:$0x0] =	wrdreg $0x0  }
0xa8: {  	s4 =	sshll.u32 s28, $0x1;
	[dreg:$0x2] =	wrdreg s2  }
0xa9: {  	[dreg:$0x3] =	wrdreg s4  }
0xaa: {  	[dreg:$0x4] =	wrdreg $0xC0  }
0xab: {  	_ =	task [dreg:s6], $0x5FFFF  }
0xac: {  	[dreg:$0x1] =	wrdreg $0xFFFFFFFF  }
0xad: {  	[dreg:$0x0] =	wrdreg $0x60  }
0xae: {  	[dreg:$0x2] =	wrdreg s24  }
0xaf: {  	[dreg:$0x3] =	wrdreg $0x70000  }
0xb0: {  	[dreg:$0x4] =	wrdreg $0xBF000  }
0xb1: {  	[dreg:$0x5] =	wrdreg $0x9  }
0xb2: {  	_ =	task.clear_ibuf [dreg:s6], $0x6FFFF;
	_ =	strace $0x90000049  }
0xb3: {  	s29 =	simm.s32 $0x9;
	_ =	strace $0x8000004B  }
0xb4: {  	_ =	swait.ge [sflag:s29], $0x1  }
0xb5: {  	[sflag:s29] =	ssyncadd.s32 $0xFFFFFFFF  }
0xb6: {  	_ =	strace $0x9000004B  }
0xb7: {  	_ =	sfence  }
0xb8: {  	s30 =	sld [smem:$0x0];
	_ =	sdelay $0x2  }
0xb9: {  	s31 =	sshll.u32 s1, $0xD;
	s1 =	sshrl.u32 s1, $0x2  }
0xba: {  	s3 =	sand.u32 $0x4000, s31;
	s1 =	sadd.s32 s1, s30  }
0xbb: {  	s0 =	sor.u32 s3, s0;
	s1 =	sshll.u32 s1, $0x11  }
0xbc: {  	s0 =	sor.u32 s1, s0  }
0xbd: {  	s0 =	sadd.s32 $0x8F2B, s0  }
0xbe: {  	[sflag:s0] =	ssyncadd.remote.s32 $0x1  }
0xbf: {  	_ =	sfence.sel $0xFFFF  }
0xc0: {  	[dreg:$0x0] =	wrdreg $0xFFFFFFFF;
	(pc) =	sbr.abs _section_cstart, $3  }
0xc1: {  	[dreg:$0x1] =	wrdreg $0xFFFFFFFF  }
0xc2: {  	_ =	task.clear_ibuf [dreg:s6], $0x2FFFF;
	_ =	strace $0x9FFFFFFF  }
0xc3: {  	(tm) =	ssettm $0x7FFFFFFF  }
tec
execute0_lowered:
.L_overlay_start_1:
0x0: {  	(tag) =	ssettag $0x1  }
0x1: {  	s5 =	rddreg [dreg:$0x0]  }
0x2: {  	s2 =	rddreg [dreg:$0x1]  }
0x3: {  	s3 =	rddreg [dreg:$0x2]  }
0x4: {  	s1 =	stileid.u32;
	s4 =	srdreg.scid  }
0x5: {  	s0 =	rddreg [dreg:$0x3];
	s16 =	simm.s32 $0x100;
	s17 =	simm.s32 $0x5000  }
0x6: {  	s18 =	simm.s32 $0x0;
	s7 =	smul.u32 $0x4F00, s1;
	s6 =	sand.u32 $0x1, s4  }
0x7: {  	s4 =	simm.s32 $0x0;
	s9 =	smul.u32 $0x9E0, s1;
	s31 =	sshll.u32 s1, $0x6  }
0x8: {  	s8 =	sshll.u32 s6, $0x4;
	[smem:$0x7FF] =	sst s4;
	s10 =	smul.u32 $0x9E00, s6  }
0x9: {  	s6 =	ssub.s32 $0x2, s6;
	s8 =	sor.u32 s1, s8;
	_ =	strace $0x8000004A  }
0xa: {  	s11 =	sshrl.u32 s7, $0x3;
	s30 =	sshrl.u32 s6, $0x1;
	s14 =	sadd.s32 s7, s2  }
0xb: {  	s15 =	sadd.s32 s7, s3;
	s8 =	smul.u32 $0x500, s8;
	s11 =	sadd.s32 s11, s5  }
0xc: {  	s9 =	sadd.s32 s9, s10;
	s13 =	ssub.s32 s6, s30;
	s6 =	sor.u32 $0x1C01, s31  }
0xd: {  	s12 =	sadd.s32 s9, s5;
	s7 =	sadd.s32 $0x1A200, s11;
	s29 =	sadd.s32 s8, s5  }
0xe: {  	s5 =	sadd.s32 $0x24000, s11;
	s10 =	sadd.s32 $0x2DE00, s12;
	s11 =	smax.u32 s13, $0x1  }
0xf: {  	s12 =	sshrl.u32 s14, $0x3;
	s13 =	simm.s32 $0x1;
	s14 =	sshrl.u32 s15, $0x3  }
0x10: {  	s15 =	simm.s32 $0x2800;
	s8 =	sadd.s32 $0x10200, s29;
	s9 =	sadd.s32 $0x3800, s29  }
.LBB2_1:
0x11: {  	[spmem:s12], [sflag:s6] =	dma.local [hbm:s5], $0x9E0  }
0x12: {  	_ =	swait.ge [sflag:s13], $0x9E0  }
0x13: {  	[sflag:s13] =	ssyncset.done $0x0  }
0x14: {  	[sflag:s13] =	ssyncadd.s32 $0xFFFFF620  }
0x15: {  	[spmem:s14], [sflag:s6] =	dma.local [hbm:s7], $0x9E0  }
0x16: {  	_ =	swait.ge [sflag:s13], $0x9E0  }
0x17: {  	[sflag:s13] =	ssyncset.done $0x0  }
0x18: {  	[sflag:s13] =	ssyncadd.s32 $0xFFFFF620  }
0x19: {  	[tilespmem:s4], [sflag:$0x1] =	stream.linear.gather [hbm4b:s8+s4], $0x2800, $0x38;
	[tilespmem:$0x10E00] =	vst v63  }
0x1a: {  	_ =	swait.ge [sflag:s13], $0x2800  }
0x1b: {  	[sflag:s13] =	ssyncset.done $0x0  }
0x1c: {  	[sflag:s13] =	ssyncadd.s32 $0xFFFFD800  }
0x1d: {  	[tilespmem:s15], [sflag:$0x1] =	stream.linear.gather [hbm4b:s9+s4], $0x2800, $0x38;
	[tilespmem:$0x10E00] =	vst v63  }
0x1e: {  	_ =	swait.ge [sflag:s13], $0x2800  }
0x1f: {  	[sflag:s13] =	ssyncset.done $0x0  }
0x20: {  	[sflag:s13] =	ssyncadd.s32 $0xFFFFD800  }
0x21: {  	s19 =	simm.s32 $0x0;
	[bflag:$0x0] =	sbarrier.arrive $0xFFFF  }
0x22: {  	[tilespmem:s17], [sflag:$0x1] =	stream.indirect.gather [spmem:s3], $0x20, s19, s16, $0xb8;
	[tilespmem:$0x10E00] =	vst v63  }
0x23: {  	_ =	swait.ge [sflag:s13], $0x2000  }
0x24: {  	[sflag:s13] =	ssyncset.done $0x0  }
0x25: {  	s31 =	simm.s32 $0x2800;
	[sflag:s13] =	ssyncadd.s32 $0xFFFFE000  }
0x26: {  	[spmem:s2] =	stream.indirect.scatter.add.f32 [tilespmem:s17], [sflag:$0x1], $0x20, s31, s16, $0xb8;
	[tilespmem:$0x10E00] =	vst v63  }
0x27: {  	_ =	swait.ge [sflag:s13], $0x2000  }
0x28: {  	s20 =	simm.s32 $0x800;
	s19 =	simm.s32 $0x400;
	[sflag:s13] =	ssyncset.done $0x0  }
.LBB2_2:
0x29: {  	s21 =	sshra.s32 s19, $0x2  }
0x2a: {  	[sflag:s13] =	ssyncadd.s32 $0xFFFFE000;
	s19 =	smov.u32 s20;
	s22 =	sadd.s32 $0x400, s20  }
0x2b: {  	[tilespmem:s17], [sflag:$0x1] =	stream.indirect.gather [spmem:s3], $0x20, s21, s16, $0xb8;
	[tilespmem:$0x10E00] =	vst v63  }
0x2c: {  	p0 =	sne.s32 s20, $0x9C00;
	_ =	swait.ge [sflag:s13], $0x2000  }
.Ltmp0:
0x2d: {  	[sflag:s13] =	ssyncset.done $0x0;
	(pc) =	sbr.rel @p0 .LBB2_2-.Ltmp0, $4  }
0x2e: {  	s20 =	sadd.s32 $0x2800, s21;
	[sflag:s13] =	ssyncadd.s32 $0xFFFFE000  }
0x2f: {  	[spmem:s2] =	stream.indirect.scatter.add.f32 [tilespmem:s17], [sflag:$0x1], $0x20, s20, s16, $0xb8;
	[tilespmem:$0x10E00] =	vst v63  }
0x30: {  	_ =	swait.ge [sflag:s13], $0x2000  }
0x31: {  	s20 =	smov.u32 s22;
	[sflag:s13] =	ssyncset.done $0x0  }
0x32: {  	s19 =	sshra.s32 s19, $0x2;
	[sflag:s13] =	ssyncadd.s32 $0xFFFFE000  }
0x33: {  	[tilespmem:s17], [sflag:$0x1] =	stream.indirect.gather [spmem:s3], $0x20, s19, s16, $0xb8;
	[tilespmem:$0x10E00] =	vst v63  }
0x34: {  	_ =	swait.ge [sflag:s13], $0x2000  }
0x35: {  	[sflag:s13] =	ssyncset.done $0x0  }
0x36: {  	s19 =	sadd.s32 $0x2800, s19;
	[sflag:s13] =	ssyncadd.s32 $0xFFFFE000  }
0x37: {  	[spmem:s2] =	stream.indirect.scatter.add.f32 [tilespmem:s17], [sflag:$0x1], $0x20, s19, s16, $0xb8;
	[tilespmem:$0x10E00] =	vst v63  }
0x38: {  	_ =	swait.ge [sflag:s13], $0x2000  }
0x39: {  	s18 =	sadd.s32 $0x1, s18;
	[sflag:s13] =	ssyncset.done $0x0  }
0x3a: {  	p0 =	sne.s32 s18, s11;
	[sflag:s13] =	ssyncadd.s32 $0xFFFFE000  }
.Ltmp1:
0x3b: {  	[bflag:$0x0] =	sbarrier.arrive $0xFFFF;
	(pc) =	sbr.rel @p0 .LBB2_1-.Ltmp1, $4  }
0x3c: {  	[hbm:s10], [sflag:s6] =	dma.local [spmem:s12], $0x9E0  }
0x3d: {  	_ =	swait.ge [sflag:s13], $0x9E0  }
0x3e: {  	[sflag:s13] =	ssyncset.done $0x0  }
0x3f: {  	[sflag:s13] =	ssyncadd.s32 $0xFFFFF620  }
0x40: {  	_ =	sfence.sel $0x180000  }
0x41: {  	[bflag:$0x0] =	sbarrier.arrive $0xFFFF  }
0x42: {  	p0 =	sne.s32 s1, $0x0;
	_ =	strace $0x9000004A  }
0x43: {  	s0 =	sadd.s32 @!p0 $0x100000, s0;
	[bflag:$0x2] =	sbarrier.arrive $0xFFFF  }
0x44: {  	[sflag:s0] =	ssyncadd.tile.s32 @!p0 $0x1;
	_ =	shalt  }
.Lfunc_end2:
_tile_overlayer_lowered:
.L_overlay_start_2:
0x45: {  	(tag) =	ssettag $0x2  }
0x46: {  	s0 =	rddreg [dreg:$0x0];
	s2 =	stileid.u32  }
0x47: {  	s1 =	rddreg [dreg:$0x1];
	p0 =	sne.s32 s2, $0x0  }
0x48: {  	s3 =	rddreg [dreg:$0x2];
	[bflag:$0x3] =	sbarrier.arrive $0xFFFF;
	s2 =	simm.s32 @!p0 $0x1C01  }
0x49: {  	[timem:s3], [sflag:s2] =	dma.local @!p0 [hbm:s0], s1  }
0x4a: {  	s0 =	simm.s32 @!p0 $0x1  }
0x4b: {  	_ =	swait.ge @!p0 [sflag:s0], s1  }
0x4c: {  	s1 =	ssub.s32 @!p0 $0x0, s1;
	[sflag:s0] =	ssyncset.done @!p0 $0x0  }
0x4d: {  	[sflag:s0] =	ssyncadd.s32 @!p0 s1  }
0x4e: {  	[bflag:$0x3] =	sbarrier.arrive $0xFFFF  }
0x4f: {  	_ =	shalt  }

// kernel: kernel.15.cloned.1.call-start
scs
__scs_entry_jumppad:
0x0: {  	(pc) =	sbr.rel $0x88, $3  }
0x1: {  	(tag) =	ssettag $0x0;
	lr =	simm.s32 $0x1  }
0x2: {  	[smem:$0x3F8F] =	sst lr;
	_ =	strace $0xD0000000  }
0x3: {  	_ = 	snop  }
0x4: {  	_ = 	snop  }
0x5: {  	_ = 	snop  }
0x6: {  	_ = 	snop  }
0x7: {  	_ = 	snop  }
__scs_overlays_trampoline_lowered:
0x8: {  	[smem:$0x3F9E] =	sst s0  }
0x9: {  	[smem:$0x3F9F] =	sst s1  }
0xa: {  	[smem:$0x3FA0] =	sst s2  }
0xb: {  	[smem:$0x3FA1] =	sst s3  }
0xc: {  	[smem:$0x3FA2] =	sst s4  }
0xd: {  	[smem:$0x3FA3] =	sst s5  }
0xe: {  	[smem:$0x3FA4] =	sst s6  }
0xf: {  	[smem:$0x3FA5] =	sst s7  }
0x10: {  	[smem:$0x3FA6] =	sst s8  }
0x11: {  	[smem:$0x3FA7] =	sst s9;
	s0 =	simm.s32 @!p0 $0x0  }
0x12: {  	s1 =	sld [smem:$0x3F8D];
	s0 =	simm.s32 @p0 $0x1  }
0x13: {  	[smem:$0x3FA8] =	sst s0;
	s0 =	simm.s32 @!p1 $0x0  }
0x14: {  	s2 =	sld [smem:$0x3F8C];
	s0 =	simm.s32 @p1 $0x1  }
0x15: {  	[smem:$0x3FA9] =	sst s0;
	s0 =	simm.s32 @!p2 $0x0  }
0x16: {  	s3 =	sld [smem:$0x3FDB];
	s0 =	simm.s32 @p2 $0x1  }
0x17: {  	s4 =	simm.s32 $0x1BF5;
	[smem:$0x3FAB] =	sst s0  }
0x18: {  	s0 =	sld [smem:$0x3F8E];
	_ =	swait.ge [sflag:s4], $0x0  }
0x19: {  	s7 =	sld [smem:$0x3F8F]  }
0x1a: {  	s8 =	sadd.s32 $0xFFFFE003, lr  }
0x1b: {  	s9 =	sadd.s32 $0xFFFFFEF7, lr;
	s5 =	simm.s32 $0xFFFFFFFF;
	p2 =	slt.u32 s8, $0xFFFFF086  }
0x1c: {  	p1 =	slt.u32 s9, $0xF7A;
	s5 =	simm.s32 @!p2 $0x0  }
0x1d: {  	s5 =	simm.s32 @p1 $0x1;
	p0 =	seq.s32 s7, s2  }
0x1e: {  	s7 =	smul.u32 @!p0 $0xF7A, s2;
	p2 =	seq.s32 @!p0 s5, $0x0  }
0x1f: {  	s9 =	smul.u32 $0xF7A, s1;
	s8 =	simm.s32 @!p0 $0x1BF5;
	p2 =	por !p2, p0  }
0x20: {  	[sflag:s8] =	ssyncset.s32 @!p0 $0xFFFFF086;
	s6 =	sadd.s32 @!p0 s3, s7;
	s7 =	simm.s32 @!p0 $0x108  }
0x21: {  	s3 =	sadd.s32 s3, s9;
	s6 =	sadd.s32 @!p0 $0x88, s6;
	s7 =	simm.s32 @p2 $0x1082  }
0x22: {  	[simem:s7], [sflag:s8] =	dma.local @!p0 [hbm:s6], $0xF7A  }
0x23: {  	s9 =	sor.u32 $0xD0000000, s2;
	s6 =	simm.s32 $0x108;
	_ =	swait.ge @!p0 [sflag:s8], $0x0  }
0x24: {  	s3 =	sadd.s32 $0x88, s3;
	s6 =	simm.s32 @!p1 $0x1082;
	[sflag:s4] =	ssyncset.s32 $0xFFFFF086  }
0x25: {  	[simem:s6], [sflag:s4] =	dma.local [hbm:s3], $0xF7A  }
0x26: {  	[smem:$0x3F8F] =	sst s1;
	(tag) =	ssettag s2;
	_ =	strace s9  }
0x27: {  	s1 =	sld [smem:$0x3F9F]  }
0x28: {  	s2 =	sld [smem:$0x3FA0]  }
0x29: {  	s4 =	sld [smem:$0x3FA2]  }
0x2a: {  	p0 =	seq.s32 s5, $0x0;
	s5 =	sld [smem:$0x3FA3]  }
0x2b: {  	s6 =	sld [smem:$0x3FA4]  }
0x2c: {  	s7 =	sld [smem:$0x3FA5]  }
0x2d: {  	s3 =	simm.s32 $0x108;
	s8 =	sld [smem:$0x3FA6]  }
0x2e: {  	s3 =	simm.s32 @!p0 $0x1082;
	s9 =	sld [smem:$0x3FA7]  }
0x2f: {  	lr =	sadd.s32 s0, s3;
	s0 =	sld [smem:$0x3F9E]  }
0x30: {  	s3 =	sld [smem:$0x3FA1]  }
0x31: {  	[smem:$0x3FAA] =	sst s10  }
0x32: {  	s10 =	sld [smem:$0x3FA8];
	_ =	sdelay $0x3  }
0x33: {  	p0 =	seq.s32 s10, $0x1;
	s10 =	sld [smem:$0x3FAA];
	_ =	sdelay $0x3  }
0x34: {  	[smem:$0x3FAA] =	sst s10  }
0x35: {  	s10 =	sld [smem:$0x3FA9];
	_ =	sdelay $0x3  }
0x36: {  	p1 =	seq.s32 s10, $0x1;
	s10 =	sld [smem:$0x3FAA];
	_ =	sdelay $0x3  }
0x37: {  	[smem:$0x3FAA] =	sst s10  }
0x38: {  	s10 =	sld [smem:$0x3FAB]  }
0x39: {  	_ = 	snop;
	(pc) =	sbr.ind lr, $3  }
0x3a: {  	_ = 	snop  }
0x3b: {  	_ = 	snop  }
0x3c: {  	p2 =	seq.s32 s10, $0x1;
	s10 =	sld [smem:$0x3FAA]  }
0x3d: {  	_ =	shalt  }
0x3e: {  	_ =	shalt  }
0x3f: {  	_ =	shalt  }
0x40: {  	_ =	shalt  }
0x41: {  	_ =	shalt  }
0x42: {  	_ =	shalt  }
0x43: {  	_ =	shalt  }
0x44: {  	_ =	shalt  }
0x45: {  	_ =	shalt  }
0x46: {  	_ =	shalt  }
0x47: {  	_ =	shalt  }
0x48: {  	_ =	shalt  }
0x49: {  	_ =	shalt  }
0x4a: {  	_ =	shalt  }
0x4b: {  	_ =	shalt  }
0x4c: {  	_ =	shalt  }
0x4d: {  	_ =	shalt  }
0x4e: {  	_ =	shalt  }
0x4f: {  	_ =	shalt  }
0x50: {  	_ =	shalt  }
0x51: {  	_ =	shalt  }
0x52: {  	_ =	shalt  }
0x53: {  	_ =	shalt  }
0x54: {  	_ =	shalt  }
0x55: {  	_ =	shalt  }
0x56: {  	_ =	shalt  }
0x57: {  	_ =	shalt  }
0x58: {  	_ =	shalt  }
0x59: {  	_ =	shalt  }
0x5a: {  	_ =	shalt  }
0x5b: {  	_ =	shalt  }
0x5c: {  	_ =	shalt  }
0x5d: {  	_ =	shalt  }
0x5e: {  	_ =	shalt  }
0x5f: {  	_ =	shalt  }
0x60: {  	_ =	shalt  }
0x61: {  	_ =	shalt  }
0x62: {  	_ =	shalt  }
0x63: {  	_ =	shalt  }
0x64: {  	_ =	shalt  }
0x65: {  	_ =	shalt  }
0x66: {  	_ =	shalt  }
0x67: {  	_ =	shalt  }
0x68: {  	_ =	shalt  }
0x69: {  	_ =	shalt  }
0x6a: {  	_ =	shalt  }
0x6b: {  	_ =	shalt  }
0x6c: {  	_ =	shalt  }
0x6d: {  	_ =	shalt  }
0x6e: {  	_ =	shalt  }
0x6f: {  	_ =	shalt  }
0x70: {  	_ =	shalt  }
0x71: {  	_ =	shalt  }
0x72: {  	_ =	shalt  }
0x73: {  	_ =	shalt  }
0x74: {  	_ =	shalt  }
0x75: {  	_ =	shalt  }
0x76: {  	_ =	shalt  }
0x77: {  	_ =	shalt  }
0x78: {  	_ =	shalt  }
0x79: {  	_ =	shalt  }
0x7a: {  	_ =	shalt  }
0x7b: {  	_ =	shalt  }
0x7c: {  	_ =	shalt  }
0x7d: {  	_ =	shalt  }
0x7e: {  	_ =	shalt  }
0x7f: {  	_ =	shalt  }
0x80: {  	_ =	shalt  }
0x81: {  	_ =	shalt  }
0x82: {  	_ =	shalt  }
0x83: {  	_ =	shalt  }
0x84: {  	_ =	shalt  }
0x85: {  	_ =	shalt  }
0x86: {  	_ =	shalt  }
0x87: {  	_ =	shalt  }
.Lfunc_end0:
.L_simem_size_0:
called_computation.2_lowered:
.L_overlay_start_0:
0x88: {  	s2 =	sld [smem:$0x3FD9]  }
0x89: {  	s3 =	sld [smem:$0x3FFE];
	_ =	sdelay $0x1  }
0x8a: {  	s1 =	srdreg.scid  }
0x8b: {  	s0 =	sand.u32 $0x1, s1  }
0x8c: {  	s16 =	sshll.u32 s0, $0xA;
	s2 =	sadd.s32 s3, s2  }
0x8d: {  	s2 =	sadd.s32 s2, s16  }
0x8e: {  	[smem:$0x3FB6] =	sst s2  }
0x8f: {  	_ = 	snop  }
0x90: {  	(tm) =	ssettm $0x1  }
0x91: {  	s17 =	sld [smem:$0x3FFB];
	_ =	sdelay $0x3  }
0x92: {  	_ =	strace s17  }
0x93: {  	s2 =	sld [smem:$0x3FFC];
	_ =	sdelay $0x3  }
0x94: {  	_ =	strace s2  }
0x95: {  	s2 =	sld [smem:$0x3FFD];
	_ =	sdelay $0x3  }
0x96: {  	_ =	strace s2  }
0x97: {  	_ =	strace $0x8FFFFFFF  }
0x98: {  	s18 =	sld [smem:$0x3FDB];
	_ =	sdelay $0x1  }
0x99: {  	s19 =	simm.s32 $_scs_section_size  }
0x9a: {  	s4 =	simm.s32 $_size__tile_overlayer_lowered;
	s5 =	simm.s32 $_tile_overlayer_lowered  }
0x9b: {  	s22 =	simm.s32 $0x1BFF;
	s21 =	sshll.u32 s5, $0x1;
	s2 =	sadd.s32 s19, s18  }
0x9c: {  	s6 =	simm.s32 $0x0;
	s20 =	sshll.u32 s4, $0x1;
	s4 =	sadd.s32 s21, s2  }
0x9d: {  	[timem:s6], [sflag:s22] =	dma.local [hbm:s4], s20  }
0x9e: {  	_ =	swait.ge [sflag:s22], s20  }
0x9f: {  	s3 =	ssub.s32 $0x0, s20;
	[sflag:s22] =	ssyncset.done $0x0  }
0xa0: {  	[sflag:s22] =	ssyncadd.s32 s3;
	_ =	sdelay $0x1  }
0xa1: {  	s23 =	simm.s32 $0x1B8B  }
0xa2: {  	_ =	swait.ge [sflag:s23], $0x1  }
0xa3: {  	[sflag:s23] =	ssyncset.done $0x0  }
0xa4: {  	s25 =	simm.s32 $0x1B8E;
	s24 =	sld [smem:$0x3FFE];
	[sflag:s23] =	ssyncadd.s32 $0xFFFFFFFF  }
0xa5: {  	s26 =	simm.s32 $execute0_lowered;
	[smem:$0x3FD2] =	sst s25  }
0xa6: {  	s4 =	sshll.u32 s26, $0x1;
	_ =	strace $0x8000004C;
	[dreg:$0x1] =	wrdreg $0xFFFFFFFF  }
0xa7: {  	s28 =	simm.s32 $_size_execute0_lowered;
	s2 =	sadd.s32 s2, s4;
	[dreg:$0x0] =	wrdreg $0x0  }
0xa8: {  	s4 =	sshll.u32 s28, $0x1;
	[dreg:$0x2] =	wrdreg s2  }
0xa9: {  	[dreg:$0x3] =	wrdreg s4  }
0xaa: {  	[dreg:$0x4] =	wrdreg $0xC0  }
0xab: {  	_ =	task [dreg:s6], $0x5FFFF  }
0xac: {  	[dreg:$0x1] =	wrdreg $0xFFFFFFFF  }
0xad: {  	[dreg:$0x0] =	wrdreg $0x60  }
0xae: {  	[dreg:$0x2] =	wrdreg s24  }
0xaf: {  	[dreg:$0x3] =	wrdreg $0x90000  }
0xb0: {  	[dreg:$0x4] =	wrdreg $0x12E000  }
0xb1: {  	[dreg:$0x5] =	wrdreg $0x9  }
0xb2: {  	_ =	task.clear_ibuf [dreg:s6], $0x6FFFF;
	_ =	strace $0x9000004C  }
0xb3: {  	s29 =	simm.s32 $0x9;
	_ =	strace $0x8000004E  }
0xb4: {  	_ =	swait.ge [sflag:s29], $0x1  }
0xb5: {  	[sflag:s29] =	ssyncadd.s32 $0xFFFFFFFF  }
0xb6: {  	_ =	strace $0x9000004E  }
0xb7: {  	_ =	sfence  }
0xb8: {  	s30 =	sld [smem:$0x0];
	_ =	sdelay $0x2  }
0xb9: {  	s31 =	sshll.u32 s1, $0xD;
	s1 =	sshrl.u32 s1, $0x2  }
0xba: {  	s3 =	sand.u32 $0x4000, s31;
	s1 =	sadd.s32 s1, s30  }
0xbb: {  	s0 =	sor.u32 s3, s0;
	s1 =	sshll.u32 s1, $0x11  }
0xbc: {  	s0 =	sor.u32 s1, s0  }
0xbd: {  	s0 =	sadd.s32 $0x8F2B, s0  }
0xbe: {  	[sflag:s0] =	ssyncadd.remote.s32 $0x1  }
0xbf: {  	_ =	sfence.sel $0xFFFF  }
0xc0: {  	[dreg:$0x0] =	wrdreg $0xFFFFFFFF;
	(pc) =	sbr.abs _section_cstart, $3  }
0xc1: {  	[dreg:$0x1] =	wrdreg $0xFFFFFFFF  }
0xc2: {  	_ =	task.clear_ibuf [dreg:s6], $0x2FFFF;
	_ =	strace $0x9FFFFFFF  }
0xc3: {  	(tm) =	ssettm $0x7FFFFFFF  }
tec
execute0_lowered:
.L_overlay_start_1:
0x0: {  	(tag) =	ssettag $0x1  }
0x1: {  	s5 =	rddreg [dreg:$0x0]  }
0x2: {  	s2 =	rddreg [dreg:$0x1]  }
0x3: {  	s3 =	rddreg [dreg:$0x2]  }
0x4: {  	s1 =	stileid.u32;
	s4 =	srdreg.scid  }
0x5: {  	s0 =	rddreg [dreg:$0x3];
	s16 =	simm.s32 $0x100;
	s17 =	simm.s32 $0x5000  }
0x6: {  	s18 =	simm.s32 $0x0;
	s7 =	smul.u32 $0x9E00, s1;
	s6 =	sand.u32 $0x1, s4  }
0x7: {  	s4 =	simm.s32 $0x0;
	s9 =	smul.u32 $0x13C0, s1;
	s31 =	sshll.u32 s1, $0x6  }
0x8: {  	s8 =	sshll.u32 s6, $0x4;
	[smem:$0x7FF] =	sst s4;
	s10 =	smul.u32 $0x13C00, s6  }
0x9: {  	s6 =	ssub.s32 $0x2, s6;
	s8 =	sor.u32 s1, s8;
	_ =	strace $0x8000004D  }
0xa: {  	s11 =	sshrl.u32 s7, $0x3;
	s30 =	sshrl.u32 s6, $0x1;
	s14 =	sadd.s32 s7, s2  }
0xb: {  	s15 =	sadd.s32 s7, s3;
	s8 =	smul.u32 $0x500, s8;
	s11 =	sadd.s32 s11, s5  }
0xc: {  	s9 =	sadd.s32 s9, s10;
	s13 =	ssub.s32 s6, s30;
	s6 =	sor.u32 $0x1C01, s31  }
0xd: {  	s12 =	sadd.s32 s9, s5;
	s7 =	sadd.s32 $0x1A200, s11;
	s29 =	sadd.s32 s8, s5  }
0xe: {  	s5 =	sadd.s32 $0x2DE00, s11;
	s10 =	sadd.s32 $0x41A00, s12;
	s11 =	smax.u32 s13, $0x1  }
0xf: {  	s12 =	sshrl.u32 s14, $0x3;
	s13 =	simm.s32 $0x1;
	s14 =	sshrl.u32 s15, $0x3  }
0x10: {  	s15 =	simm.s32 $0x2800;
	s8 =	sadd.s32 $0x10200, s29;
	s9 =	sadd.s32 $0x3800, s29  }
.LBB2_1:
0x11: {  	[spmem:s12], [sflag:s6] =	dma.local [hbm:s5], $0x13C0  }
0x12: {  	_ =	swait.ge [sflag:s13], $0x13C0  }
0x13: {  	[sflag:s13] =	ssyncset.done $0x0  }
0x14: {  	[sflag:s13] =	ssyncadd.s32 $0xFFFFEC40  }
0x15: {  	[spmem:s14], [sflag:s6] =	dma.local [hbm:s7], $0x13C0  }
0x16: {  	_ =	swait.ge [sflag:s13], $0x13C0  }
0x17: {  	[sflag:s13] =	ssyncset.done $0x0  }
0x18: {  	[sflag:s13] =	ssyncadd.s32 $0xFFFFEC40  }
0x19: {  	[tilespmem:s4], [sflag:$0x1] =	stream.linear.gather [hbm4b:s8+s4], $0x2800, $0x38;
	[tilespmem:$0x1CC00] =	vst v63  }
0x1a: {  	_ =	swait.ge [sflag:s13], $0x2800  }
0x1b: {  	[sflag:s13] =	ssyncset.done $0x0  }
0x1c: {  	[sflag:s13] =	ssyncadd.s32 $0xFFFFD800  }
0x1d: {  	[tilespmem:s15], [sflag:$0x1] =	stream.linear.gather [hbm4b:s9+s4], $0x2800, $0x38;
	[tilespmem:$0x1CC00] =	vst v63  }
0x1e: {  	_ =	swait.ge [sflag:s13], $0x2800  }
0x1f: {  	[sflag:s13] =	ssyncset.done $0x0  }
0x20: {  	[sflag:s13] =	ssyncadd.s32 $0xFFFFD800  }
0x21: {  	s19 =	simm.s32 $0x0;
	[bflag:$0x0] =	sbarrier.arrive $0xFFFF  }
0x22: {  	[tilespmem:s17], [sflag:$0x1] =	stream.indirect.gather [spmem:s3], $0x40, s19, s16, $0xb8;
	[tilespmem:$0x1CC00] =	vst v63  }
0x23: {  	_ =	swait.ge [sflag:s13], $0x4000  }
0x24: {  	[sflag:s13] =	ssyncset.done $0x0  }
0x25: {  	s31 =	simm.s32 $0x2800;
	[sflag:s13] =	ssyncadd.s32 $0xFFFFC000  }
0x26: {  	[spmem:s2] =	stream.indirect.scatter.add.f32 [tilespmem:s17], [sflag:$0x1], $0x40, s31, s16, $0xb8;
	[tilespmem:$0x1CC00] =	vst v63  }
0x27: {  	_ =	swait.ge [sflag:s13], $0x4000  }
0x28: {  	s20 =	simm.s32 $0x800;
	s19 =	simm.s32 $0x400;
	[sflag:s13] =	ssyncset.done $0x0  }
.LBB2_2:
0x29: {  	s21 =	sshra.s32 s19, $0x2  }
0x2a: {  	[sflag:s13] =	ssyncadd.s32 $0xFFFFC000;
	s19 =	smov.u32 s20;
	s22 =	sadd.s32 $0x400, s20  }
0x2b: {  	[tilespmem:s17], [sflag:$0x1] =	stream.indirect.gather [spmem:s3], $0x40, s21, s16, $0xb8;
	[tilespmem:$0x1CC00] =	vst v63  }
0x2c: {  	p0 =	sne.s32 s20, $0x9C00;
	_ =	swait.ge [sflag:s13], $0x4000  }
.Ltmp0:
0x2d: {  	[sflag:s13] =	ssyncset.done $0x0;
	(pc) =	sbr.rel @p0 .LBB2_2-.Ltmp0, $4  }
0x2e: {  	s20 =	sadd.s32 $0x2800, s21;
	[sflag:s13] =	ssyncadd.s32 $0xFFFFC000  }
0x2f: {  	[spmem:s2] =	stream.indirect.scatter.add.f32 [tilespmem:s17], [sflag:$0x1], $0x40, s20, s16, $0xb8;
	[tilespmem:$0x1CC00] =	vst v63  }
0x30: {  	_ =	swait.ge [sflag:s13], $0x4000  }
0x31: {  	s20 =	smov.u32 s22;
	[sflag:s13] =	ssyncset.done $0x0  }
0x32: {  	s19 =	sshra.s32 s19, $0x2;
	[sflag:s13] =	ssyncadd.s32 $0xFFFFC000  }
0x33: {  	[tilespmem:s17], [sflag:$0x1] =	stream.indirect.gather [spmem:s3], $0x40, s19, s16, $0xb8;
	[tilespmem:$0x1CC00] =	vst v63  }
0x34: {  	_ =	swait.ge [sflag:s13], $0x4000  }
0x35: {  	[sflag:s13] =	ssyncset.done $0x0  }
0x36: {  	s19 =	sadd.s32 $0x2800, s19;
	[sflag:s13] =	ssyncadd.s32 $0xFFFFC000  }
0x37: {  	[spmem:s2] =	stream.indirect.scatter.add.f32 [tilespmem:s17], [sflag:$0x1], $0x40, s19, s16, $0xb8;
	[tilespmem:$0x1CC00] =	vst v63  }
0x38: {  	_ =	swait.ge [sflag:s13], $0x4000  }
0x39: {  	s18 =	sadd.s32 $0x1, s18;
	[sflag:s13] =	ssyncset.done $0x0  }
0x3a: {  	p0 =	sne.s32 s18, s11;
	[sflag:s13] =	ssyncadd.s32 $0xFFFFC000  }
.Ltmp1:
0x3b: {  	[bflag:$0x0] =	sbarrier.arrive $0xFFFF;
	(pc) =	sbr.rel @p0 .LBB2_1-.Ltmp1, $4  }
0x3c: {  	[hbm:s10], [sflag:s6] =	dma.local [spmem:s12], $0x13C0  }
0x3d: {  	_ =	swait.ge [sflag:s13], $0x13C0  }
0x3e: {  	[sflag:s13] =	ssyncset.done $0x0  }
0x3f: {  	[sflag:s13] =	ssyncadd.s32 $0xFFFFEC40  }
0x40: {  	_ =	sfence.sel $0x180000  }
0x41: {  	[bflag:$0x0] =	sbarrier.arrive $0xFFFF  }
0x42: {  	p0 =	sne.s32 s1, $0x0;
	_ =	strace $0x9000004D  }
0x43: {  	s0 =	sadd.s32 @!p0 $0x100000, s0;
	[bflag:$0x2] =	sbarrier.arrive $0xFFFF  }
0x44: {  	[sflag:s0] =	ssyncadd.tile.s32 @!p0 $0x1;
	_ =	shalt  }
.Lfunc_end2:
_tile_overlayer_lowered:
.L_overlay_start_2:
0x45: {  	(tag) =	ssettag $0x2  }
0x46: {  	s0 =	rddreg [dreg:$0x0];
	s2 =	stileid.u32  }
0x47: {  	s1 =	rddreg [dreg:$0x1];
	p0 =	sne.s32 s2, $0x0  }
0x48: {  	s3 =	rddreg [dreg:$0x2];
	[bflag:$0x3] =	sbarrier.arrive $0xFFFF;
	s2 =	simm.s32 @!p0 $0x1C01  }
0x49: {  	[timem:s3], [sflag:s2] =	dma.local @!p0 [hbm:s0], s1  }
0x4a: {  	s0 =	simm.s32 @!p0 $0x1  }
0x4b: {  	_ =	swait.ge @!p0 [sflag:s0], s1  }
0x4c: {  	s1 =	ssub.s32 @!p0 $0x0, s1;
	[sflag:s0] =	ssyncset.done @!p0 $0x0  }
0x4d: {  	[sflag:s0] =	ssyncadd.s32 @!p0 s1  }
0x4e: {  	[bflag:$0x3] =	sbarrier.arrive $0xFFFF  }
0x4f: {  	_ =	shalt  }

// kernel: kernel.9.cloned.1.call-start
scs
__scs_entry_jumppad:
0x0: {  	(pc) =	sbr.rel $0x88, $3  }
0x1: {  	(tag) =	ssettag $0x0;
	lr =	simm.s32 $0x1  }
0x2: {  	[smem:$0x3F8F] =	sst lr;
	_ =	strace $0xD0000000  }
0x3: {  	_ = 	snop  }
0x4: {  	_ = 	snop  }
0x5: {  	_ = 	snop  }
0x6: {  	_ = 	snop  }
0x7: {  	_ = 	snop  }
__scs_overlays_trampoline_lowered:
0x8: {  	[smem:$0x3F9E] =	sst s0  }
0x9: {  	[smem:$0x3F9F] =	sst s1  }
0xa: {  	[smem:$0x3FA0] =	sst s2  }
0xb: {  	[smem:$0x3FA1] =	sst s3  }
0xc: {  	[smem:$0x3FA2] =	sst s4  }
0xd: {  	[smem:$0x3FA3] =	sst s5  }
0xe: {  	[smem:$0x3FA4] =	sst s6  }
0xf: {  	[smem:$0x3FA5] =	sst s7  }
0x10: {  	[smem:$0x3FA6] =	sst s8  }
0x11: {  	[smem:$0x3FA7] =	sst s9;
	s0 =	simm.s32 @!p0 $0x0  }
0x12: {  	s1 =	sld [smem:$0x3F8D];
	s0 =	simm.s32 @p0 $0x1  }
0x13: {  	[smem:$0x3FA8] =	sst s0;
	s0 =	simm.s32 @!p1 $0x0  }
0x14: {  	s2 =	sld [smem:$0x3F8C];
	s0 =	simm.s32 @p1 $0x1  }
0x15: {  	[smem:$0x3FA9] =	sst s0;
	s0 =	simm.s32 @!p2 $0x0  }
0x16: {  	s3 =	sld [smem:$0x3FDB];
	s0 =	simm.s32 @p2 $0x1  }
0x17: {  	s4 =	simm.s32 $0x1BF5;
	[smem:$0x3FAB] =	sst s0  }
0x18: {  	s0 =	sld [smem:$0x3F8E];
	_ =	swait.ge [sflag:s4], $0x0  }
0x19: {  	s7 =	sld [smem:$0x3F8F]  }
0x1a: {  	s8 =	sadd.s32 $0xFFFFE003, lr  }
0x1b: {  	s9 =	sadd.s32 $0xFFFFFEF7, lr;
	s5 =	simm.s32 $0xFFFFFFFF;
	p2 =	slt.u32 s8, $0xFFFFF086  }
0x1c: {  	p1 =	slt.u32 s9, $0xF7A;
	s5 =	simm.s32 @!p2 $0x0  }
0x1d: {  	s5 =	simm.s32 @p1 $0x1;
	p0 =	seq.s32 s7, s2  }
0x1e: {  	s7 =	smul.u32 @!p0 $0xF7A, s2;
	p2 =	seq.s32 @!p0 s5, $0x0  }
0x1f: {  	s9 =	smul.u32 $0xF7A, s1;
	s8 =	simm.s32 @!p0 $0x1BF5;
	p2 =	por !p2, p0  }
0x20: {  	[sflag:s8] =	ssyncset.s32 @!p0 $0xFFFFF086;
	s6 =	sadd.s32 @!p0 s3, s7;
	s7 =	simm.s32 @!p0 $0x108  }
0x21: {  	s3 =	sadd.s32 s3, s9;
	s6 =	sadd.s32 @!p0 $0x88, s6;
	s7 =	simm.s32 @p2 $0x1082  }
0x22: {  	[simem:s7], [sflag:s8] =	dma.local @!p0 [hbm:s6], $0xF7A  }
0x23: {  	s9 =	sor.u32 $0xD0000000, s2;
	s6 =	simm.s32 $0x108;
	_ =	swait.ge @!p0 [sflag:s8], $0x0  }
0x24: {  	s3 =	sadd.s32 $0x88, s3;
	s6 =	simm.s32 @!p1 $0x1082;
	[sflag:s4] =	ssyncset.s32 $0xFFFFF086  }
0x25: {  	[simem:s6], [sflag:s4] =	dma.local [hbm:s3], $0xF7A  }
0x26: {  	[smem:$0x3F8F] =	sst s1;
	(tag) =	ssettag s2;
	_ =	strace s9  }
0x27: {  	s1 =	sld [smem:$0x3F9F]  }
0x28: {  	s2 =	sld [smem:$0x3FA0]  }
0x29: {  	s4 =	sld [smem:$0x3FA2]  }
0x2a: {  	p0 =	seq.s32 s5, $0x0;
	s5 =	sld [smem:$0x3FA3]  }
0x2b: {  	s6 =	sld [smem:$0x3FA4]  }
0x2c: {  	s7 =	sld [smem:$0x3FA5]  }
0x2d: {  	s3 =	simm.s32 $0x108;
	s8 =	sld [smem:$0x3FA6]  }
0x2e: {  	s3 =	simm.s32 @!p0 $0x1082;
	s9 =	sld [smem:$0x3FA7]  }
0x2f: {  	lr =	sadd.s32 s0, s3;
	s0 =	sld [smem:$0x3F9E]  }
0x30: {  	s3 =	sld [smem:$0x3FA1]  }
0x31: {  	[smem:$0x3FAA] =	sst s10  }
0x32: {  	s10 =	sld [smem:$0x3FA8];
	_ =	sdelay $0x3  }
0x33: {  	p0 =	seq.s32 s10, $0x1;
	s10 =	sld [smem:$0x3FAA];
	_ =	sdelay $0x3  }
0x34: {  	[smem:$0x3FAA] =	sst s10  }
0x35: {  	s10 =	sld [smem:$0x3FA9];
	_ =	sdelay $0x3  }
0x36: {  	p1 =	seq.s32 s10, $0x1;
	s10 =	sld [smem:$0x3FAA];
	_ =	sdelay $0x3  }
0x37: {  	[smem:$0x3FAA] =	sst s10  }
0x38: {  	s10 =	sld [smem:$0x3FAB]  }
0x39: {  	_ = 	snop;
	(pc) =	sbr.ind lr, $3  }
0x3a: {  	_ = 	snop  }
0x3b: {  	_ = 	snop  }
0x3c: {  	p2 =	seq.s32 s10, $0x1;
	s10 =	sld [smem:$0x3FAA]  }
0x3d: {  	_ =	shalt  }
0x3e: {  	_ =	shalt  }
0x3f: {  	_ =	shalt  }
0x40: {  	_ =	shalt  }
0x41: {  	_ =	shalt  }
0x42: {  	_ =	shalt  }
0x43: {  	_ =	shalt  }
0x44: {  	_ =	shalt  }
0x45: {  	_ =	shalt  }
0x46: {  	_ =	shalt  }
0x47: {  	_ =	shalt  }
0x48: {  	_ =	shalt  }
0x49: {  	_ =	shalt  }
0x4a: {  	_ =	shalt  }
0x4b: {  	_ =	shalt  }
0x4c: {  	_ =	shalt  }
0x4d: {  	_ =	shalt  }
0x4e: {  	_ =	shalt  }
0x4f: {  	_ =	shalt  }
0x50: {  	_ =	shalt  }
0x51: {  	_ =	shalt  }
0x52: {  	_ =	shalt  }
0x53: {  	_ =	shalt  }
0x54: {  	_ =	shalt  }
0x55: {  	_ =	shalt  }
0x56: {  	_ =	shalt  }
0x57: {  	_ =	shalt  }
0x58: {  	_ =	shalt  }
0x59: {  	_ =	shalt  }
0x5a: {  	_ =	shalt  }
0x5b: {  	_ =	shalt  }
0x5c: {  	_ =	shalt  }
0x5d: {  	_ =	shalt  }
0x5e: {  	_ =	shalt  }
0x5f: {  	_ =	shalt  }
0x60: {  	_ =	shalt  }
0x61: {  	_ =	shalt  }
0x62: {  	_ =	shalt  }
0x63: {  	_ =	shalt  }
0x64: {  	_ =	shalt  }
0x65: {  	_ =	shalt  }
0x66: {  	_ =	shalt  }
0x67: {  	_ =	shalt  }
0x68: {  	_ =	shalt  }
0x69: {  	_ =	shalt  }
0x6a: {  	_ =	shalt  }
0x6b: {  	_ =	shalt  }
0x6c: {  	_ =	shalt  }
0x6d: {  	_ =	shalt  }
0x6e: {  	_ =	shalt  }
0x6f: {  	_ =	shalt  }
0x70: {  	_ =	shalt  }
0x71: {  	_ =	shalt  }
0x72: {  	_ =	shalt  }
0x73: {  	_ =	shalt  }
0x74: {  	_ =	shalt  }
0x75: {  	_ =	shalt  }
0x76: {  	_ =	shalt  }
0x77: {  	_ =	shalt  }
0x78: {  	_ =	shalt  }
0x79: {  	_ =	shalt  }
0x7a: {  	_ =	shalt  }
0x7b: {  	_ =	shalt  }
0x7c: {  	_ =	shalt  }
0x7d: {  	_ =	shalt  }
0x7e: {  	_ =	shalt  }
0x7f: {  	_ =	shalt  }
0x80: {  	_ =	shalt  }
0x81: {  	_ =	shalt  }
0x82: {  	_ =	shalt  }
0x83: {  	_ =	shalt  }
0x84: {  	_ =	shalt  }
0x85: {  	_ =	shalt  }
0x86: {  	_ =	shalt  }
0x87: {  	_ =	shalt  }
.Lfunc_end0:
.L_simem_size_0:
called_computation_lowered:
.L_overlay_start_0:
0x88: {  	s2 =	sld [smem:$0x3FD9]  }
0x89: {  	s3 =	sld [smem:$0x3FFE];
	_ =	sdelay $0x1  }
0x8a: {  	s1 =	srdreg.scid  }
0x8b: {  	s0 =	sand.u32 $0x1, s1  }
0x8c: {  	s17 =	sshll.u32 s0, $0xA;
	s2 =	sadd.s32 s3, s2  }
0x8d: {  	s2 =	sadd.s32 s2, s17  }
0x8e: {  	[smem:$0x3FB6] =	sst s2  }
0x8f: {  	_ = 	snop  }
0x90: {  	s2 =	sld [smem:$0x3FD0];
	(tm) =	ssettm $0x1  }
0x91: {  	s18 =	sld [smem:$0x3FFB];
	_ =	sdelay $0x3  }
0x92: {  	_ =	strace s18  }
0x93: {  	s3 =	sld [smem:$0x3FFC];
	_ =	sdelay $0x3  }
0x94: {  	_ =	strace s3  }
0x95: {  	s3 =	sld [smem:$0x3FFD];
	_ =	sdelay $0x3  }
0x96: {  	_ =	strace s3  }
0x97: {  	_ =	strace $0x8FFFFFFF  }
0x98: {  	s19 =	sld [smem:$0x3FDB];
	_ =	sdelay $0x1  }
0x99: {  	s4 =	simm.s32 $_scs_section_size  }
0x9a: {  	s5 =	simm.s32 $_size__tile_overlayer_lowered;
	s6 =	simm.s32 $_tile_overlayer_lowered  }
0x9b: {  	s22 =	simm.s32 $0x1BFF;
	s21 =	sshll.u32 s6, $0x1;
	s3 =	sadd.s32 s4, s19  }
0x9c: {  	s7 =	simm.s32 $0x0;
	s20 =	sshll.u32 s5, $0x1;
	s5 =	sadd.s32 s21, s3  }
0x9d: {  	[timem:s7], [sflag:s22] =	dma.local [hbm:s5], s20  }
0x9e: {  	_ =	swait.ge [sflag:s22], s20  }
0x9f: {  	s4 =	ssub.s32 $0x0, s20;
	[sflag:s22] =	ssyncset.done $0x0  }
0xa0: {  	[sflag:s22] =	ssyncadd.s32 s4;
	_ =	sdelay $0x1  }
0xa1: {  	s23 =	simm.s32 $0x1B8B  }
0xa2: {  	_ =	swait.ge [sflag:s23], $0x1  }
0xa3: {  	[sflag:s23] =	ssyncset.done $0x0  }
0xa4: {  	s25 =	simm.s32 $0x1B8E;
	s24 =	sld [smem:$0x3FFE];
	[sflag:s23] =	ssyncadd.s32 $0xFFFFFFFF  }
0xa5: {  	s26 =	simm.s32 $execute0_lowered;
	[smem:$0x3FD2] =	sst s25  }
0xa6: {  	s5 =	sshll.u32 s26, $0x1;
	_ =	strace $0x80000046;
	[dreg:$0x1] =	wrdreg $0xFFFFFFFF  }
0xa7: {  	s28 =	simm.s32 $_size_execute0_lowered;
	s3 =	sadd.s32 s3, s5;
	[dreg:$0x0] =	wrdreg $0x0  }
0xa8: {  	s5 =	sshll.u32 s28, $0x1;
	[dreg:$0x2] =	wrdreg s3  }
0xa9: {  	[dreg:$0x3] =	wrdreg s5  }
0xaa: {  	[dreg:$0x4] =	wrdreg $0xC0  }
0xab: {  	_ =	task [dreg:s7], $0x5FFFF  }
0xac: {  	[dreg:$0x1] =	wrdreg $0xFFFFFFFF  }
0xad: {  	[dreg:$0x0] =	wrdreg $0x60  }
0xae: {  	[dreg:$0x2] =	wrdreg s24  }
0xaf: {  	[dreg:$0x3] =	wrdreg s2  }
0xb0: {  	[dreg:$0x4] =	wrdreg $0x30000  }
0xb1: {  	[dreg:$0x5] =	wrdreg $0x9  }
0xb2: {  	_ =	task.clear_ibuf [dreg:s7], $0x6FFFF;
	_ =	strace $0x90000046  }
0xb3: {  	s29 =	simm.s32 $0x9;
	_ =	strace $0x80000048  }
0xb4: {  	_ =	swait.ge [sflag:s29], $0x1  }
0xb5: {  	[sflag:s29] =	ssyncadd.s32 $0xFFFFFFFF  }
0xb6: {  	_ =	strace $0x90000048  }
0xb7: {  	_ =	sfence  }
0xb8: {  	s30 =	sld [smem:$0x0];
	_ =	sdelay $0x2  }
0xb9: {  	s31 =	sshll.u32 s1, $0xD;
	s1 =	sshrl.u32 s1, $0x2  }
0xba: {  	s3 =	sand.u32 $0x4000, s31;
	s1 =	sadd.s32 s1, s30  }
0xbb: {  	s0 =	sor.u32 s3, s0;
	s1 =	sshll.u32 s1, $0x11  }
0xbc: {  	s0 =	sor.u32 s1, s0  }
0xbd: {  	s0 =	sadd.s32 $0x8F2B, s0  }
0xbe: {  	[sflag:s0] =	ssyncadd.remote.s32 $0x1  }
0xbf: {  	_ =	sfence.sel $0xFFFF  }
0xc0: {  	[dreg:$0x0] =	wrdreg $0xFFFFFFFF;
	(pc) =	sbr.abs _section_cstart, $3  }
0xc1: {  	[dreg:$0x1] =	wrdreg $0xFFFFFFFF  }
0xc2: {  	_ =	task.clear_ibuf [dreg:s7], $0x2FFFF;
	_ =	strace $0x9FFFFFFF  }
0xc3: {  	(tm) =	ssettm $0x7FFFFFFF  }
tec
execute0_lowered:
.L_overlay_start_1:
0x0: {  	(tag) =	ssettag $0x1  }
0x1: {  	s5 =	rddreg [dreg:$0x0]  }
0x2: {  	s0 =	srdreg.scid;
	s7 =	rddreg [dreg:$0x1]  }
0x3: {  	s2 =	rddreg [dreg:$0x2];
	s6 =	sand.u32 $0x1, s0;
	s0 =	stileid.u32  }
0x4: {  	s3 =	simm.s32 $0x0;
	s13 =	simm.s32 $0x100;
	s8 =	smul.u32 $0x13C0, s0  }
0x5: {  	s14 =	simm.s32 $0x0;
	[smem:$0x7FF] =	sst s3;
	s12 =	smul.u32 $0x278, s0  }
0x6: {  	s1 =	sshll.u32 s6, $0x4;
	s11 =	ssub.s32 $0x2, s6;
	s30 =	smul.u32 $0x2780, s6  }
0x7: {  	s31 =	sshll.u32 s0, $0x6;
	s4 =	sor.u32 s0, s1;
	s1 =	rddreg [dreg:$0x3]  }
0x8: {  	_ =	strace $0x80000047;
	s28 =	sshrl.u32 s11, $0x1;
	s6 =	sor.u32 $0x1C01, s31  }
0x9: {  	s4 =	smul.u32 $0x500, s4;
	s10 =	sshrl.u32 s8, $0x3;
	s12 =	sadd.s32 s7, s12  }
0xa: {  	s29 =	sadd.s32 s8, s2;
	s8 =	sadd.s32 s30, s12;
	s12 =	simm.s32 $0x2800  }
0xb: {  	s9 =	sadd.s32 s4, s5;
	s4 =	sadd.s32 $0x10000, s5;
	s5 =	sadd.s32 s10, s5  }
0xc: {  	s10 =	ssub.s32 s11, s28;
	s11 =	simm.s32 $0x1;
	s5 =	sadd.s32 $0xD800, s5  }
0xd: {  	s7 =	sadd.s32 $0x3800, s9;
	s9 =	smax.u32 s10, $0x1;
	s10 =	sshrl.u32 s29, $0x3  }
.LBB2_1:
0xe: {  	[spmem:s10], [sflag:s6] =	dma.local [hbm:s5], $0x278  }
0xf: {  	_ =	swait.ge [sflag:s11], $0x278  }
0x10: {  	[sflag:s11] =	ssyncset.done $0x0  }
0x11: {  	[sflag:s11] =	ssyncadd.s32 $0xFFFFFD88  }
0x12: {  	[tilespmem:s3], [sflag:$0x1] =	stream.linear.gather [hbm4b:s7+s3], $0x2800, $0x38;
	[tilespmem:$0x43C0] =	vst v63  }
0x13: {  	_ =	swait.ge [sflag:s11], $0x2800  }
0x14: {  	[sflag:s11] =	ssyncset.done $0x0  }
0x15: {  	[sflag:s11] =	ssyncadd.s32 $0xFFFFD800  }
0x16: {  	[tilespmem:s12], [sflag:$0x1] =	stream.linear.gather [hbm4b:s4+s3], $0x800, $0x38;
	[tilespmem:$0x43C0] =	vst v63  }
0x17: {  	_ =	swait.ge [sflag:s11], $0x800  }
0x18: {  	[sflag:s11] =	ssyncset.done $0x0  }
0x19: {  	[sflag:s11] =	ssyncadd.s32 $0xFFFFF800  }
0x1a: {  	s15 =	simm.s32 $0x0;
	[bflag:$0x0] =	sbarrier.arrive $0xFFFF  }
0x1b: {  	[spmem:s2] =	stream.indirect.scatter.add.f32 [tilespmem:s12], [sflag:$0x1], $0x8, s15, s13, $0xb8;
	[tilespmem:$0x43C0] =	vst v63  }
0x1c: {  	_ =	swait.ge [sflag:s11], $0x800  }
0x1d: {  	s15 =	simm.s32 $0x400;
	[sflag:s11] =	ssyncset.done $0x0  }
.LBB2_2:
0x1e: {  	s16 =	sshra.s32 s15, $0x2;
	[sflag:s11] =	ssyncadd.s32 $0xFFFFF800;
	p0 =	sne.s32 s15, $0x9C00  }
0x1f: {  	[spmem:s2] =	stream.indirect.scatter.add.f32 [tilespmem:s12], [sflag:$0x1], $0x8, s16, s13, $0xb8;
	[tilespmem:$0x43C0] =	vst v63  }
.Ltmp0:
0x20: {  	_ = 	snop;
	(pc) =	sbr.rel @p0 .LBB2_2-.Ltmp0, $4  }
0x21: {  	_ = 	snop  }
0x22: {  	s15 =	sadd.s32 $0x400, s15  }
0x23: {  	_ =	swait.ge [sflag:s11], $0x800  }
0x24: {  	[sflag:s11] =	ssyncset.done $0x0  }
0x25: {  	s14 =	sadd.s32 $0x1, s14  }
0x26: {  	[sflag:s11] =	ssyncadd.s32 $0xFFFFF800;
	p0 =	sne.s32 s14, s9  }
.Ltmp1:
0x27: {  	[bflag:$0x0] =	sbarrier.arrive $0xFFFF;
	(pc) =	sbr.rel @p0 .LBB2_1-.Ltmp1, $4  }
0x28: {  	[hbm:s8], [sflag:s6] =	dma.local [spmem:s10], $0x278  }
0x29: {  	_ =	swait.ge [sflag:s11], $0x278  }
0x2a: {  	[sflag:s11] =	ssyncset.done $0x0  }
0x2b: {  	[sflag:s11] =	ssyncadd.s32 $0xFFFFFD88  }
0x2c: {  	_ =	sfence.sel $0x180000  }
0x2d: {  	[bflag:$0x0] =	sbarrier.arrive $0xFFFF  }
0x2e: {  	p0 =	sne.s32 s0, $0x0;
	_ =	strace $0x90000047  }
0x2f: {  	s0 =	sadd.s32 @!p0 $0x100000, s1;
	[bflag:$0x2] =	sbarrier.arrive $0xFFFF  }
0x30: {  	[sflag:s0] =	ssyncadd.tile.s32 @!p0 $0x1;
	_ =	shalt  }
.Lfunc_end2:
_tile_overlayer_lowered:
.L_overlay_start_2:
0x31: {  	(tag) =	ssettag $0x2  }
0x32: {  	s0 =	rddreg [dreg:$0x0];
	s2 =	stileid.u32  }
0x33: {  	s1 =	rddreg [dreg:$0x1];
	p0 =	sne.s32 s2, $0x0  }
0x34: {  	s3 =	rddreg [dreg:$0x2];
	[bflag:$0x3] =	sbarrier.arrive $0xFFFF;
	s2 =	simm.s32 @!p0 $0x1C01  }
0x35: {  	[timem:s3], [sflag:s2] =	dma.local @!p0 [hbm:s0], s1  }
0x36: {  	s0 =	simm.s32 @!p0 $0x1  }
0x37: {  	_ =	swait.ge @!p0 [sflag:s0], s1  }
0x38: {  	s1 =	ssub.s32 @!p0 $0x0, s1;
	[sflag:s0] =	ssyncset.done @!p0 $0x0  }
0x39: {  	[sflag:s0] =	ssyncadd.s32 @!p0 s1  }
0x3a: {  	[bflag:$0x3] =	sbarrier.arrive $0xFFFF  }
0x3b: {  	_ =	shalt  }

</sc_bundles>
